<compile_context>
chip_gen: v7x
topology: tpu7x:2x2x1
jax: 0.10.2.dev20260603
libtpu: 0.0.44.dev20260713+nightly
codegen_flags: <defaults>
</compile_context>

<pallas_src>
import jax
import jax.numpy as jnp
from jax import lax
from jax.experimental import pallas as pl
from jax.experimental.pallas import tpu as pltpu
from jax.experimental.pallas import tpu_sc as plsc

_C = 2048
_K = 2048
_COEFFICIENT = 0.001
_Q = 15.0
_STD_DEV_NUM = 2.0

_C_SC = 256
_C_TC = _C - _C_SC

_TC_BLK = 256


def _tc_body(w_ref, s_ref, out_ref):
    i = pl.program_id(0)
    w = w_ref[...]
    s = s_ref[...]
    k = w.shape[1]
    mean = jnp.mean(w, axis=1, keepdims=True)
    var = jnp.sum((w - mean) ** 2, axis=1, keepdims=True) / (k - 1)
    std = jnp.sqrt(var)
    lower = mean - _STD_DEV_NUM * std
    step = (2.0 * _STD_DEV_NUM / _Q) * std
    x = (w - lower) / step
    idx = jnp.floor(jnp.clip(x, 0.0, _Q - 1.0))
    target = s * (idx - 7.0)
    partial = jnp.sum(jnp.abs(w - target)).reshape(1, 1)

    @pl.when(i == 0)
    def _init():
        out_ref[...] = jnp.zeros_like(out_ref)

    out_ref[...] += partial


_L = 16
_NC = 2
_NS = 16
_NW = _NC * _NS
_WROWS = _C_SC // _NW
_HROWS = _WROWS // 2
_UNROLL = 8


def _vrsqrt(v16):
    i = lax.bitcast_convert_type(v16, jnp.int32)
    i = jnp.int32(0x5F3759DF) - (i >> 1)
    y = lax.bitcast_convert_type(i, jnp.float32)
    for _ in range(4):
        y = y * (1.5 - 0.5 * v16 * y * y)
    return y


def _sc_body(w_hbm, s_hbm, out_hbm, bufa, bufb, sbuf, accbuf, sema, semb):
    cid = lax.axis_index("c")
    sid = lax.axis_index("s")
    wid = sid * _NC + cid
    base = _C_TC + wid * _WROWS

    da = pltpu.async_copy(w_hbm.at[pl.ds(base, _HROWS), :], bufa, sema)
    db = pltpu.async_copy(w_hbm.at[pl.ds(base + _HROWS, _HROWS), :], bufb, semb)
    pltpu.sync_copy(s_hbm.at[pl.ds(base, _WROWS)], sbuf.at[pl.ds(0, _WROWS)])

    nchunk = _K // (_L * _UNROLL)

    def half_sweep(buf, scale_off, acc_in):
        def row_body(r, acc_row):
            def p1(j, c):
                s, ss = c
                o = j * (_L * _UNROLL)
                for u in range(_UNROLL):
                    v = buf[r, pl.ds(o + u * _L, _L)]
                    s = s + v
                    ss = ss + v * v
                return s, ss

            z = jnp.zeros((_L,), jnp.float32)
            s, ss = lax.fori_loop(0, nchunk, p1, (z, z))
            tot = plsc.cumsum(s)[_L - 1]
            tot2 = plsc.cumsum(ss)[_L - 1]
            mean = tot * (1.0 / _K)
            var = (tot2 - tot * mean) * (1.0 / (_K - 1))
            rstd = _vrsqrt(jnp.full((_L,), var, jnp.float32))
            a = 3.75 * rstd
            cst = 7.5 - mean * a
            sc = sbuf[pl.ds(scale_off + r, _L)][0]
            sc7 = sc * 7.0

            def p2(j, acc):
                o = j * (_L * _UNROLL)
                for u in range(_UNROLL):
                    v = buf[r, pl.ds(o + u * _L, _L)]
                    x = v * a + cst
                    x = jnp.minimum(jnp.maximum(x, 0.0), 14.0)
                    idxf = x.astype(jnp.int32).astype(jnp.float32)
                    acc = acc + jnp.abs(v - (sc * idxf - sc7))
                return acc

            return lax.fori_loop(0, nchunk, p2, acc_row)

        return lax.fori_loop(0, _HROWS, row_body, acc_in)

    z16 = jnp.zeros((_L,), jnp.float32)
    da.wait()
    acc = half_sweep(bufa, 0, z16)
    db.wait()
    acc = half_sweep(bufb, _HROWS, acc)

    accbuf[...] = acc
    pltpu.sync_copy(accbuf, out_hbm.at[wid])


def kernel(weight, scale):
    sc_partials = pl.kernel(
        _sc_body,
        out_type=jax.ShapeDtypeStruct((_NW, _L), jnp.float32),
        mesh=plsc.VectorSubcoreMesh(core_axis_name="c", subcore_axis_name="s"),
        compiler_params=pltpu.CompilerParams(needs_layout_passes=False),
        scratch_types=[
            pltpu.VMEM((_HROWS, _K), jnp.float32),
            pltpu.VMEM((_HROWS, _K), jnp.float32),
            pltpu.VMEM((_WROWS + _L,), jnp.float32),
            pltpu.VMEM((_L,), jnp.float32),
            pltpu.SemaphoreType.DMA,
            pltpu.SemaphoreType.DMA,
        ],
    )(weight, scale.reshape(_C))

    tc_partial = pl.pallas_call(
        _tc_body,
        grid=(_C_TC // _TC_BLK,),
        in_specs=[
            pl.BlockSpec((_TC_BLK, _K), lambda i: (i, 0)),
            pl.BlockSpec((_TC_BLK, 1), lambda i: (i, 0)),
        ],
        out_specs=pl.BlockSpec((1, 1), lambda i: (0, 0)),
        out_shape=jax.ShapeDtypeStruct((1, 1), jnp.float32),
    )(weight, scale)

    return (tc_partial[0, 0] + jnp.sum(sc_partials)) * _COEFFICIENT

# --- scband reference (transcript-rebuilt; emitter-appended) ---
"""Pipeline reference for scband-balanced-weight-cluster-loss-82059645157780 (READ-ONLY COPY).

The authoritative reference and input builder live on the scoring server;
editing this copy changes nothing except your own understanding.
"""

import jax, jax.numpy as jnp
import numpy as np

BIT = 4
SYMMETRIC = True
STD_DEV_NUM = 2  # percentile 0.95
COEFFICIENT = 0.001
THD_POS = 2 ** (BIT - 1) - 1
THD_NEG = -THD_POS if SYMMETRIC else -(2 ** (BIT - 1))


def setup_inputs(seed: int = 0) -> dict:
    key = jax.random.key(seed)
    k1, k2 = jax.random.split(key)
    # weight of a quantized linear layer: [out_channels=2048, in_features=2048]
    weight = jax.random.normal(k1, (2048, 2048), dtype=jnp.float32) * 0.05
    # per-channel learned quantization step size s (detached in the loss): [C, 1]
    scale = jax.random.uniform(k2, (2048, 1), dtype=jnp.float32, minval=0.001, maxval=0.05)
    return {"weight": weight, "scale": scale}


def reference(weight, scale):
    q_range = jnp.arange(THD_NEG, THD_POS + 1, dtype=jnp.float32)  # [Q]
    Q = q_range.shape[0]
    # scale is detached in the torch code
    scale_d = jax.lax.stop_gradient(scale)
    cluster_centers = jnp.squeeze(scale_d * q_range)  # [C, Q]
    w = weight.reshape(weight.shape[0], -1)  # [C, K]
    _w = jax.lax.stop_gradient(w)
    w_mean = jnp.mean(_w, axis=1)  # [C]
    w_std = jnp.std(_w, axis=1, ddof=1)  # torch.std is unbiased by default
    lower_bound = w_mean - w_std * STD_DEV_NUM  # [C]
    range_step = 2.0 * STD_DEV_NUM * w_std / Q  # [C]
    center_idx = (_w - lower_bound[:, None]) / range_step[:, None]
    center_idx = jnp.clip(center_idx, 0, Q - 1).astype(jnp.int32)  # [C, K]
    # gather per-channel target centers: cluster_centers[c][center_idx[c]]
    target_centers = jnp.take_along_axis(cluster_centers, center_idx, axis=1)  # [C, K]
    distances = w - target_centers
    wc_loss = jnp.sum(jnp.abs(distances))
    return wc_loss * COEFFICIENT

if __name__ == "__main__":
    import jax
    _d = setup_inputs()
    print(jax.jit(kernel)(*tuple(_d.values())))

</pallas_src>

<mosaic_0001>
#map = affine_map<(d0, d1) -> (0, 0)>
#map1 = affine_map<(d0, d1) -> (0)>
module attributes {stable_mosaic.version = 14 : i64} {
  func.func @_sc_body(%arg0: i32, %arg1: i32, %arg2: memref<2048x2048xf32, #tpu.memory_space<hbm>>, %arg3: memref<2048xf32, #tpu.memory_space<hbm>>, %arg4: memref<32x16xf32, #tpu.memory_space<hbm>>, %arg5: memref<4x2048xf32, #tpu.memory_space<vmem>>, %arg6: memref<4x2048xf32, #tpu.memory_space<vmem>>, %arg7: memref<24xf32, #tpu.memory_space<vmem>>, %arg8: memref<16xf32, #tpu.memory_space<vmem>>, %arg9: memref<!tpu.dma_semaphore, #tpu.memory_space<semaphore_mem>>, %arg10: memref<!tpu.dma_semaphore, #tpu.memory_space<semaphore_mem>>) attributes {dimension_semantics = [#tpu.dimension_semantics<core_parallel>, #tpu.dimension_semantics<subcore_parallel>], iteration_bounds = array<i64: 2, 16>, scalar_prefetch = 0 : i64, scratch_operands = 6 : i64, tpu.core_type = #tpu.core_type<sc_vector_subcore>, window_params = [{transform_indices = #map}, {transform_indices = #map1}, {transform_indices = #map}]} {
    %mul3A = arith.constant 2 : i32
    %mul3A_0 = arith.muli %arg1, %mul3A : i32
    %add3A = arith.addi %mul3A_0, %arg0 : i32
    %mul3A_1 = arith.constant 8 : i32
    %mul3A_2 = arith.muli %add3A, %mul3A_1 : i32
    %add3A_3 = arith.constant 1792 : i32
    %add3A_4 = arith.addi %add3A_3, %mul3A_2 : i32
    %dma_start3A = arith.constant 0 : i32
    %dma_start3A_5 = tpu.memref_slice %arg2[%add3A_4, %dma_start3A] : memref<2048x2048xf32, #tpu.memory_space<hbm>> -> memref<4x2048xf32, #tpu.memory_space<hbm>>
    %dma_start3A_6 = arith.constant 0 : i32
    %dma_start3A_7 = tpu.memref_slice %arg2[%add3A_4, %dma_start3A_6] : memref<2048x2048xf32, #tpu.memory_space<hbm>> -> memref<4x2048xf32, #tpu.memory_space<hbm>>
    tpu.enqueue_dma source(%dma_start3A_7 : memref<4x2048xf32, #tpu.memory_space<hbm>>) target(%arg5 : memref<4x2048xf32, #tpu.memory_space<vmem>>) target_semaphore(%arg9 : memref<!tpu.dma_semaphore, #tpu.memory_space<semaphore_mem>>)
    %add3A_8 = arith.constant 4 : i32
    %add3A_9 = arith.addi %add3A_4, %add3A_8 : i32
    %dma_start3A_10 = arith.constant 0 : i32
    %dma_start3A_11 = tpu.memref_slice %arg2[%add3A_9, %dma_start3A_10] : memref<2048x2048xf32, #tpu.memory_space<hbm>> -> memref<4x2048xf32, #tpu.memory_space<hbm>>
    %dma_start3A_12 = arith.constant 0 : i32
    %dma_start3A_13 = tpu.memref_slice %arg2[%add3A_9, %dma_start3A_12] : memref<2048x2048xf32, #tpu.memory_space<hbm>> -> memref<4x2048xf32, #tpu.memory_space<hbm>>
    tpu.enqueue_dma source(%dma_start3A_13 : memref<4x2048xf32, #tpu.memory_space<hbm>>) target(%arg6 : memref<4x2048xf32, #tpu.memory_space<vmem>>) target_semaphore(%arg10 : memref<!tpu.dma_semaphore, #tpu.memory_space<semaphore_mem>>)
    "tpu.region"() ({
      %run_scoped3A = tpu.sem_alloc : memref<!tpu.dma_semaphore, #tpu.memory_space<semaphore_mem>>
      %dma_start3A_34 = arith.constant 0 : i32
      %dma_start3A_35 = tpu.memref_slice %arg7[%dma_start3A_34] : memref<24xf32, #tpu.memory_space<vmem>> -> memref<8xf32, #tpu.memory_space<vmem>>
      %dma_start3A_36 = tpu.memref_slice %arg3[%add3A_4] : memref<2048xf32, #tpu.memory_space<hbm>> -> memref<8xf32, #tpu.memory_space<hbm>>
      %dma_start3A_37 = arith.constant 0 : i32
      %dma_start3A_38 = tpu.memref_slice %arg7[%dma_start3A_37] : memref<24xf32, #tpu.memory_space<vmem>> -> memref<8xf32, #tpu.memory_space<vmem>>
      %dma_start3A_39 = tpu.memref_slice %arg3[%add3A_4] : memref<2048xf32, #tpu.memory_space<hbm>> -> memref<8xf32, #tpu.memory_space<hbm>>
      tpu.enqueue_dma source(%dma_start3A_39 : memref<8xf32, #tpu.memory_space<hbm>>) target(%dma_start3A_38 : memref<8xf32, #tpu.memory_space<vmem>>) target_semaphore(%run_scoped3A : memref<!tpu.dma_semaphore, #tpu.memory_space<semaphore_mem>>)
      %dma_wait3A_40 = arith.constant 0 : i32
      %dma_wait3A_41 = tpu.memref_slice %arg7[%dma_wait3A_40] : memref<24xf32, #tpu.memory_space<vmem>> -> memref<8xf32, #tpu.memory_space<vmem>>
      %dma_wait3A_42 = tpu.memref_slice %arg3[%add3A_4] : memref<2048xf32, #tpu.memory_space<hbm>> -> memref<8xf32, #tpu.memory_space<hbm>>
      %dma_wait3A_43 = arith.constant 0 : i32
      %dma_wait3A_44 = tpu.memref_slice %arg7[%dma_wait3A_43] : memref<24xf32, #tpu.memory_space<vmem>> -> memref<8xf32, #tpu.memory_space<vmem>>
      %dma_wait3A_45 = tpu.memref_slice %arg3[%add3A_4] : memref<2048xf32, #tpu.memory_space<hbm>> -> memref<8xf32, #tpu.memory_space<hbm>>
      tpu.wait_dma2 semaphore(%run_scoped3A : memref<!tpu.dma_semaphore, #tpu.memory_space<semaphore_mem>>) src(%dma_wait3A_45 : memref<8xf32, #tpu.memory_space<hbm>>) dst(%dma_wait3A_44 : memref<8xf32, #tpu.memory_space<vmem>>)
      tpu.yield
    }) : () -> ()
    %broadcast_in_dim3A = arith.constant 0.000000e+00 : f32
    %broadcast_in_dim3A_14 = vector.broadcast %broadcast_in_dim3A : f32 to vector<16xf32>
    %dma_wait3A = arith.constant 0 : i32
    %dma_wait3A_15 = tpu.memref_slice %arg2[%add3A_4, %dma_wait3A] : memref<2048x2048xf32, #tpu.memory_space<hbm>> -> memref<4x2048xf32, #tpu.memory_space<hbm>>
    %dma_wait3A_16 = arith.constant 0 : i32
    %dma_wait3A_17 = tpu.memref_slice %arg2[%add3A_4, %dma_wait3A_16] : memref<2048x2048xf32, #tpu.memory_space<hbm>> -> memref<4x2048xf32, #tpu.memory_space<hbm>>
    tpu.wait_dma2 semaphore(%arg9 : memref<!tpu.dma_semaphore, #tpu.memory_space<semaphore_mem>>) src(%dma_wait3A_17 : memref<4x2048xf32, #tpu.memory_space<hbm>>) dst(%arg5 : memref<4x2048xf32, #tpu.memory_space<vmem>>)
    %scan3A = arith.constant 0 : i32
    %scan3A_18 = arith.constant 4 : i32
    %scan3A_19 = arith.addi %scan3A, %scan3A_18 : i32
    %scan3A_20 = arith.constant 1 : i32
    %scan3A_21 = scf.for %scan3A_34 = %scan3A to %scan3A_19 step %scan3A_20 iter_args(%scan3A_35 = %broadcast_in_dim3A_14) -> (vector<16xf32>)  : i32 {
      %broadcast_in_dim3A_36 = arith.constant 0.000000e+00 : f32
      %broadcast_in_dim3A_37 = vector.broadcast %broadcast_in_dim3A_36 : f32 to vector<16xf32>
      %scan3A_38 = arith.constant 0 : i32
      %scan3A_39 = arith.constant 16 : i32
      %scan3A_40 = arith.addi %scan3A_38, %scan3A_39 : i32
      %scan3A_41 = arith.constant 1 : i32
      %scan3A_42:2 = scf.for %scan3A_120 = %scan3A_38 to %scan3A_40 step %scan3A_41 iter_args(%scan3A_121 = %broadcast_in_dim3A_37, %scan3A_122 = %broadcast_in_dim3A_37) -> (vector<16xf32>, vector<16xf32>)  : i32 {
        %mul3A_123 = arith.constant 128 : i32
        %mul3A_124 = arith.muli %scan3A_120, %mul3A_123 : i32
        %add3A_125 = arith.constant 0 : i32
        %add3A_126 = arith.addi %mul3A_124, %add3A_125 : i32
        %get3A_127 = arith.index_cast %scan3A_34 : i32 to index
        %get3A_128 = arith.index_cast %add3A_126 : i32 to index
        %get3A_129 = tpu.vector_load %arg5[%get3A_127, %get3A_128] {strides = array<i32>} : memref<4x2048xf32, #tpu.memory_space<vmem>>, vector<16xf32>,
        %add3A_130 = arith.addf %scan3A_121, %get3A_129 : vector<16xf32>
        %mul3A_131 = arith.mulf %get3A_129, %get3A_129 : vector<16xf32>
        %add3A_132 = arith.addf %scan3A_122, %mul3A_131 : vector<16xf32>
        %add3A_133 = arith.constant 16 : i32
        %add3A_134 = arith.addi %mul3A_124, %add3A_133 : i32
        %get3A_135 = arith.index_cast %scan3A_34 : i32 to index
        %get3A_136 = arith.index_cast %add3A_134 : i32 to index
        %get3A_137 = tpu.vector_load %arg5[%get3A_135, %get3A_136] {strides = array<i32>} : memref<4x2048xf32, #tpu.memory_space<vmem>>, vector<16xf32>,
        %add3A_138 = arith.addf %add3A_130, %get3A_137 : vector<16xf32>
        %mul3A_139 = arith.mulf %get3A_137, %get3A_137 : vector<16xf32>
        %add3A_140 = arith.addf %add3A_132, %mul3A_139 : vector<16xf32>
        %add3A_141 = arith.constant 32 : i32
        %add3A_142 = arith.addi %mul3A_124, %add3A_141 : i32
        %get3A_143 = arith.index_cast %scan3A_34 : i32 to index
        %get3A_144 = arith.index_cast %add3A_142 : i32 to index
        %get3A_145 = tpu.vector_load %arg5[%get3A_143, %get3A_144] {strides = array<i32>} : memref<4x2048xf32, #tpu.memory_space<vmem>>, vector<16xf32>,
        %add3A_146 = arith.addf %add3A_138, %get3A_145 : vector<16xf32>
        %mul3A_147 = arith.mulf %get3A_145, %get3A_145 : vector<16xf32>
        %add3A_148 = arith.addf %add3A_140, %mul3A_147 : vector<16xf32>
        %add3A_149 = arith.constant 48 : i32
        %add3A_150 = arith.addi %mul3A_124, %add3A_149 : i32
        %get3A_151 = arith.index_cast %scan3A_34 : i32 to index
        %get3A_152 = arith.index_cast %add3A_150 : i32 to index
        %get3A_153 = tpu.vector_load %arg5[%get3A_151, %get3A_152] {strides = array<i32>} : memref<4x2048xf32, #tpu.memory_space<vmem>>, vector<16xf32>,
        %add3A_154 = arith.addf %add3A_146, %get3A_153 : vector<16xf32>
        %mul3A_155 = arith.mulf %get3A_153, %get3A_153 : vector<16xf32>
        %add3A_156 = arith.addf %add3A_148, %mul3A_155 : vector<16xf32>
        %add3A_157 = arith.constant 64 : i32
        %add3A_158 = arith.addi %mul3A_124, %add3A_157 : i32
        %get3A_159 = arith.index_cast %scan3A_34 : i32 to index
        %get3A_160 = arith.index_cast %add3A_158 : i32 to index
        %get3A_161 = tpu.vector_load %arg5[%get3A_159, %get3A_160] {strides = array<i32>} : memref<4x2048xf32, #tpu.memory_space<vmem>>, vector<16xf32>,
        %add3A_162 = arith.addf %add3A_154, %get3A_161 : vector<16xf32>
        %mul3A_163 = arith.mulf %get3A_161, %get3A_161 : vector<16xf32>
        %add3A_164 = arith.addf %add3A_156, %mul3A_163 : vector<16xf32>
        %add3A_165 = arith.constant 80 : i32
        %add3A_166 = arith.addi %mul3A_124, %add3A_165 : i32
        %get3A_167 = arith.index_cast %scan3A_34 : i32 to index
        %get3A_168 = arith.index_cast %add3A_166 : i32 to index
        %get3A_169 = tpu.vector_load %arg5[%get3A_167, %get3A_168] {strides = array<i32>} : memref<4x2048xf32, #tpu.memory_space<vmem>>, vector<16xf32>,
        %add3A_170 = arith.addf %add3A_162, %get3A_169 : vector<16xf32>
        %mul3A_171 = arith.mulf %get3A_169, %get3A_169 : vector<16xf32>
        %add3A_172 = arith.addf %add3A_164, %mul3A_171 : vector<16xf32>
        %add3A_173 = arith.constant 96 : i32
        %add3A_174 = arith.addi %mul3A_124, %add3A_173 : i32
        %get3A_175 = arith.index_cast %scan3A_34 : i32 to index
        %get3A_176 = arith.index_cast %add3A_174 : i32 to index
        %get3A_177 = tpu.vector_load %arg5[%get3A_175, %get3A_176] {strides = array<i32>} : memref<4x2048xf32, #tpu.memory_space<vmem>>, vector<16xf32>,
        %add3A_178 = arith.addf %add3A_170, %get3A_177 : vector<16xf32>
        %mul3A_179 = arith.mulf %get3A_177, %get3A_177 : vector<16xf32>
        %add3A_180 = arith.addf %add3A_172, %mul3A_179 : vector<16xf32>
        %add3A_181 = arith.constant 112 : i32
        %add3A_182 = arith.addi %mul3A_124, %add3A_181 : i32
        %get3A_183 = arith.index_cast %scan3A_34 : i32 to index
        %get3A_184 = arith.index_cast %add3A_182 : i32 to index
        %get3A_185 = tpu.vector_load %arg5[%get3A_183, %get3A_184] {strides = array<i32>} : memref<4x2048xf32, #tpu.memory_space<vmem>>, vector<16xf32>,
        %add3A_186 = arith.addf %add3A_178, %get3A_185 : vector<16xf32>
        %mul3A_187 = arith.mulf %get3A_185, %get3A_185 : vector<16xf32>
        %add3A_188 = arith.addf %add3A_180, %mul3A_187 : vector<16xf32>
        scf.yield %add3A_186, %add3A_188 : vector<16xf32>, vector<16xf32>
      }
      %scan3A_43 = arith.constant 16 : i32
      %broadcast_in_dim3A_44 = arith.constant true
      %broadcast_in_dim3A_45 = vector.broadcast %broadcast_in_dim3A_44 : i1 to vector<16xi1>
      %masked_cumsum3A = tpu.scan <sum>, %scan3A_42#0 masked %broadcast_in_dim3A_45 : vector<16xf32>, vector<16xi1> -> vector<16xf32>
      %slice3A = vector.extract_strided_slice %masked_cumsum3A {offsets = [15], sizes = [1], strides = [1]} : vector<16xf32> to vector<1xf32>
      %squeeze3A = vector.extract %slice3A[0] : f32 from vector<1xf32>
      %broadcast_in_dim3A_46 = arith.constant true
      %broadcast_in_dim3A_47 = vector.broadcast %broadcast_in_dim3A_46 : i1 to vector<16xi1>
      %masked_cumsum3A_48 = tpu.scan <sum>, %scan3A_42#1 masked %broadcast_in_dim3A_47 : vector<16xf32>, vector<16xi1> -> vector<16xf32>
      %slice3A_49 = vector.extract_strided_slice %masked_cumsum3A_48 {offsets = [15], sizes = [1], strides = [1]} : vector<16xf32> to vector<1xf32>
      %squeeze3A_50 = vector.extract %slice3A_49[0] : f32 from vector<1xf32>
      %mul3A_51 = arith.constant 4.8828125E-4 : f32
      %mul3A_52 = arith.mulf %squeeze3A, %mul3A_51 : f32
      %mul3A_53 = arith.mulf %squeeze3A, %mul3A_52 : f32
      %sub3A = arith.subf %squeeze3A_50, %mul3A_53 : f32
      %mul3A_54 = arith.constant 4.88519785E-4 : f32
      %mul3A_55 = arith.mulf %sub3A, %mul3A_54 : f32
      %broadcast_in_dim3A_56 = vector.broadcast %mul3A_55 : f32 to vector<16xf32>
      %bitcast_convert_type3A = tpu.bitcast %broadcast_in_dim3A_56 : vector<16xf32> -> vector<16xi32>
      %shift_right_arithmetic3A = arith.constant 1 : i32
      %shift_right_arithmetic3A_57 = vector.broadcast %shift_right_arithmetic3A : i32 to vector<16xi32>
      %shift_right_arithmetic3A_58 = arith.shrsi %bitcast_convert_type3A, %shift_right_arithmetic3A_57 : vector<16xi32>
      %sub3A_59 = arith.constant 1597463007 : i32
      %sub3A_60 = vector.broadcast %sub3A_59 : i32 to vector<16xi32>
      %sub3A_61 = arith.subi %sub3A_60, %shift_right_arithmetic3A_58 : vector<16xi32>
      %bitcast_convert_type3A_62 = tpu.bitcast %sub3A_61 : vector<16xi32> -> vector<16xf32>
      %mul3A_63 = arith.constant 5.000000e-01 : f32
      %mul3A_64 = vector.broadcast %mul3A_63 : f32 to vector<16xf32>
      %mul3A_65 = arith.mulf %mul3A_64, %broadcast_in_dim3A_56 : vector<16xf32>
      %mul3A_66 = arith.mulf %mul3A_65, %bitcast_convert_type3A_62 : vector<16xf32>
      %mul3A_67 = arith.mulf %mul3A_66, %bitcast_convert_type3A_62 : vector<16xf32>
      %sub3A_68 = arith.constant 1.500000e+00 : f32
      %sub3A_69 = vector.broadcast %sub3A_68 : f32 to vector<16xf32>
      %sub3A_70 = arith.subf %sub3A_69, %mul3A_67 : vector<16xf32>
      %mul3A_71 = arith.mulf %bitcast_convert_type3A_62, %sub3A_70 : vector<16xf32>
      %mul3A_72 = arith.constant 5.000000e-01 : f32
      %mul3A_73 = vector.broadcast %mul3A_72 : f32 to vector<16xf32>
      %mul3A_74 = arith.mulf %mul3A_73, %broadcast_in_dim3A_56 : vector<16xf32>
      %mul3A_75 = arith.mulf %mul3A_74, %mul3A_71 : vector<16xf32>
      %mul3A_76 = arith.mulf %mul3A_75, %mul3A_71 : vector<16xf32>
      %sub3A_77 = arith.constant 1.500000e+00 : f32
      %sub3A_78 = vector.broadcast %sub3A_77 : f32 to vector<16xf32>
      %sub3A_79 = arith.subf %sub3A_78, %mul3A_76 : vector<16xf32>
      %mul3A_80 = arith.mulf %mul3A_71, %sub3A_79 : vector<16xf32>
      %mul3A_81 = arith.constant 5.000000e-01 : f32
      %mul3A_82 = vector.broadcast %mul3A_81 : f32 to vector<16xf32>
      %mul3A_83 = arith.mulf %mul3A_82, %broadcast_in_dim3A_56 : vector<16xf32>
      %mul3A_84 = arith.mulf %mul3A_83, %mul3A_80 : vector<16xf32>
      %mul3A_85 = arith.mulf %mul3A_84, %mul3A_80 : vector<16xf32>
      %sub3A_86 = arith.constant 1.500000e+00 : f32
      %sub3A_87 = vector.broadcast %sub3A_86 : f32 to vector<16xf32>
      %sub3A_88 = arith.subf %sub3A_87, %mul3A_85 : vector<16xf32>
      %mul3A_89 = arith.mulf %mul3A_80, %sub3A_88 : vector<16xf32>
      %mul3A_90 = arith.constant 5.000000e-01 : f32
      %mul3A_91 = vector.broadcast %mul3A_90 : f32 to vector<16xf32>
      %mul3A_92 = arith.mulf %mul3A_91, %broadcast_in_dim3A_56 : vector<16xf32>
      %mul3A_93 = arith.mulf %mul3A_92, %mul3A_89 : vector<16xf32>
      %mul3A_94 = arith.mulf %mul3A_93, %mul3A_89 : vector<16xf32>
      %sub3A_95 = arith.constant 1.500000e+00 : f32
      %sub3A_96 = vector.broadcast %sub3A_95 : f32 to vector<16xf32>
      %sub3A_97 = arith.subf %sub3A_96, %mul3A_94 : vector<16xf32>
      %mul3A_98 = arith.mulf %mul3A_89, %sub3A_97 : vector<16xf32>
      %mul3A_99 = arith.constant 3.750000e+00 : f32
      %mul3A_100 = vector.broadcast %mul3A_99 : f32 to vector<16xf32>
      %mul3A_101 = arith.mulf %mul3A_100, %mul3A_98 : vector<16xf32>
      %mul3A_102 = vector.broadcast %mul3A_52 : f32 to vector<16xf32>
      %mul3A_103 = arith.mulf %mul3A_102, %mul3A_101 : vector<16xf32>
      %sub3A_104 = arith.constant 7.500000e+00 : f32
      %sub3A_105 = vector.broadcast %sub3A_104 : f32 to vector<16xf32>
      %sub3A_106 = arith.subf %sub3A_105, %mul3A_103 : vector<16xf32>
      %add3A_107 = arith.constant 0 : i32
      %add3A_108 = arith.addi %add3A_107, %scan3A_34 : i32
      %get3A = arith.index_cast %add3A_108 : i32 to index
      %get3A_109 = tpu.vector_load %arg7[%get3A] {strides = array<i32>} : memref<24xf32, #tpu.memory_space<vmem>>, vector<16xf32>,
      %slice3A_110 = vector.extract_strided_slice %get3A_109 {offsets = [0], sizes = [1], strides = [1]} : vector<16xf32> to vector<1xf32>
      %squeeze3A_111 = vector.extract %slice3A_110[0] : f32 from vector<1xf32>
      %mul3A_112 = arith.constant 7.000000e+00 : f32
      %mul3A_113 = arith.mulf %squeeze3A_111, %mul3A_112 : f32
      %scan3A_114 = arith.constant 0 : i32
      %scan3A_115 = arith.constant 16 : i32
      %scan3A_116 = arith.addi %scan3A_114, %scan3A_115 : i32
      %scan3A_117 = arith.constant 1 : i32
      %scan3A_118 = scf.for %scan3A_120 = %scan3A_114 to %scan3A_116 step %scan3A_117 iter_args(%scan3A_121 = %scan3A_35) -> (vector<16xf32>)  : i32 {
        %mul3A_122 = arith.constant 128 : i32
        %mul3A_123 = arith.muli %scan3A_120, %mul3A_122 : i32
        %add3A_124 = arith.constant 0 : i32
        %add3A_125 = arith.addi %mul3A_123, %add3A_124 : i32
        %get3A_126 = arith.index_cast %scan3A_34 : i32 to index
        %get3A_127 = arith.index_cast %add3A_125 : i32 to index
        %get3A_128 = tpu.vector_load %arg5[%get3A_126, %get3A_127] {strides = array<i32>} : memref<4x2048xf32, #tpu.memory_space<vmem>>, vector<16xf32>,
        %mul3A_129 = arith.mulf %get3A_128, %mul3A_101 : vector<16xf32>
        %add3A_130 = arith.addf %mul3A_129, %sub3A_106 : vector<16xf32>
        %max3A = arith.constant 0.000000e+00 : f32
        %max3A_131 = vector.broadcast %max3A : f32 to vector<16xf32>
        %max3A_132 = arith.maximumf %add3A_130, %max3A_131 : vector<16xf32>
        %min3A = arith.constant 1.400000e+01 : f32
        %min3A_133 = vector.broadcast %min3A : f32 to vector<16xf32>
        %min3A_134 = arith.minimumf %max3A_132, %min3A_133 : vector<16xf32>
        %convert_element_type3A = arith.fptosi %min3A_134 : vector<16xf32> to vector<16xi32>
        %convert_element_type3A_135 = arith.sitofp %convert_element_type3A : vector<16xi32> to vector<16xf32>
        %mul3A_136 = vector.broadcast %squeeze3A_111 : f32 to vector<16xf32>
        %mul3A_137 = arith.mulf %mul3A_136, %convert_element_type3A_135 : vector<16xf32>
        %sub3A_138 = vector.broadcast %mul3A_113 : f32 to vector<16xf32>
        %sub3A_139 = arith.subf %mul3A_137, %sub3A_138 : vector<16xf32>
        %sub3A_140 = arith.subf %get3A_128, %sub3A_139 : vector<16xf32>
        %abs3A = math.absf %sub3A_140 : vector<16xf32>
        %add3A_141 = arith.addf %scan3A_121, %abs3A : vector<16xf32>
        %add3A_142 = arith.constant 16 : i32
        %add3A_143 = arith.addi %mul3A_123, %add3A_142 : i32
        %get3A_144 = arith.index_cast %scan3A_34 : i32 to index
        %get3A_145 = arith.index_cast %add3A_143 : i32 to index
        %get3A_146 = tpu.vector_load %arg5[%get3A_144, %get3A_145] {strides = array<i32>} : memref<4x2048xf32, #tpu.memory_space<vmem>>, vector<16xf32>,
        %mul3A_147 = arith.mulf %get3A_146, %mul3A_101 : vector<16xf32>
        %add3A_148 = arith.addf %mul3A_147, %sub3A_106 : vector<16xf32>
        %max3A_149 = arith.constant 0.000000e+00 : f32
        %max3A_150 = vector.broadcast %max3A_149 : f32 to vector<16xf32>
        %max3A_151 = arith.maximumf %add3A_148, %max3A_150 : vector<16xf32>
        %min3A_152 = arith.constant 1.400000e+01 : f32
        %min3A_153 = vector.broadcast %min3A_152 : f32 to vector<16xf32>
        %min3A_154 = arith.minimumf %max3A_151, %min3A_153 : vector<16xf32>
        %convert_element_type3A_155 = arith.fptosi %min3A_154 : vector<16xf32> to vector<16xi32>
        %convert_element_type3A_156 = arith.sitofp %convert_element_type3A_155 : vector<16xi32> to vector<16xf32>
        %mul3A_157 = vector.broadcast %squeeze3A_111 : f32 to vector<16xf32>
        %mul3A_158 = arith.mulf %mul3A_157, %convert_element_type3A_156 : vector<16xf32>
        %sub3A_159 = vector.broadcast %mul3A_113 : f32 to vector<16xf32>
        %sub3A_160 = arith.subf %mul3A_158, %sub3A_159 : vector<16xf32>
        %sub3A_161 = arith.subf %get3A_146, %sub3A_160 : vector<16xf32>
        %abs3A_162 = math.absf %sub3A_161 : vector<16xf32>
        %add3A_163 = arith.addf %add3A_141, %abs3A_162 : vector<16xf32>
        %add3A_164 = arith.constant 32 : i32
        %add3A_165 = arith.addi %mul3A_123, %add3A_164 : i32
        %get3A_166 = arith.index_cast %scan3A_34 : i32 to index
        %get3A_167 = arith.index_cast %add3A_165 : i32 to index
        %get3A_168 = tpu.vector_load %arg5[%get3A_166, %get3A_167] {strides = array<i32>} : memref<4x2048xf32, #tpu.memory_space<vmem>>, vector<16xf32>,
        %mul3A_169 = arith.mulf %get3A_168, %mul3A_101 : vector<16xf32>
        %add3A_170 = arith.addf %mul3A_169, %sub3A_106 : vector<16xf32>
        %max3A_171 = arith.constant 0.000000e+00 : f32
        %max3A_172 = vector.broadcast %max3A_171 : f32 to vector<16xf32>
        %max3A_173 = arith.maximumf %add3A_170, %max3A_172 : vector<16xf32>
        %min3A_174 = arith.constant 1.400000e+01 : f32
        %min3A_175 = vector.broadcast %min3A_174 : f32 to vector<16xf32>
        %min3A_176 = arith.minimumf %max3A_173, %min3A_175 : vector<16xf32>
        %convert_element_type3A_177 = arith.fptosi %min3A_176 : vector<16xf32> to vector<16xi32>
        %convert_element_type3A_178 = arith.sitofp %convert_element_type3A_177 : vector<16xi32> to vector<16xf32>
        %mul3A_179 = vector.broadcast %squeeze3A_111 : f32 to vector<16xf32>
        %mul3A_180 = arith.mulf %mul3A_179, %convert_element_type3A_178 : vector<16xf32>
        %sub3A_181 = vector.broadcast %mul3A_113 : f32 to vector<16xf32>
        %sub3A_182 = arith.subf %mul3A_180, %sub3A_181 : vector<16xf32>
        %sub3A_183 = arith.subf %get3A_168, %sub3A_182 : vector<16xf32>
        %abs3A_184 = math.absf %sub3A_183 : vector<16xf32>
        %add3A_185 = arith.addf %add3A_163, %abs3A_184 : vector<16xf32>
        %add3A_186 = arith.constant 48 : i32
        %add3A_187 = arith.addi %mul3A_123, %add3A_186 : i32
        %get3A_188 = arith.index_cast %scan3A_34 : i32 to index
        %get3A_189 = arith.index_cast %add3A_187 : i32 to index
        %get3A_190 = tpu.vector_load %arg5[%get3A_188, %get3A_189] {strides = array<i32>} : memref<4x2048xf32, #tpu.memory_space<vmem>>, vector<16xf32>,
        %mul3A_191 = arith.mulf %get3A_190, %mul3A_101 : vector<16xf32>
        %add3A_192 = arith.addf %mul3A_191, %sub3A_106 : vector<16xf32>
        %max3A_193 = arith.constant 0.000000e+00 : f32
        %max3A_194 = vector.broadcast %max3A_193 : f32 to vector<16xf32>
        %max3A_195 = arith.maximumf %add3A_192, %max3A_194 : vector<16xf32>
        %min3A_196 = arith.constant 1.400000e+01 : f32
        %min3A_197 = vector.broadcast %min3A_196 : f32 to vector<16xf32>
        %min3A_198 = arith.minimumf %max3A_195, %min3A_197 : vector<16xf32>
        %convert_element_type3A_199 = arith.fptosi %min3A_198 : vector<16xf32> to vector<16xi32>
        %convert_element_type3A_200 = arith.sitofp %convert_element_type3A_199 : vector<16xi32> to vector<16xf32>
        %mul3A_201 = vector.broadcast %squeeze3A_111 : f32 to vector<16xf32>
        %mul3A_202 = arith.mulf %mul3A_201, %convert_element_type3A_200 : vector<16xf32>
        %sub3A_203 = vector.broadcast %mul3A_113 : f32 to vector<16xf32>
        %sub3A_204 = arith.subf %mul3A_202, %sub3A_203 : vector<16xf32>
        %sub3A_205 = arith.subf %get3A_190, %sub3A_204 : vector<16xf32>
        %abs3A_206 = math.absf %sub3A_205 : vector<16xf32>
        %add3A_207 = arith.addf %add3A_185, %abs3A_206 : vector<16xf32>
        %add3A_208 = arith.constant 64 : i32
        %add3A_209 = arith.addi %mul3A_123, %add3A_208 : i32
        %get3A_210 = arith.index_cast %scan3A_34 : i32 to index
        %get3A_211 = arith.index_cast %add3A_209 : i32 to index
        %get3A_212 = tpu.vector_load %arg5[%get3A_210, %get3A_211] {strides = array<i32>} : memref<4x2048xf32, #tpu.memory_space<vmem>>, vector<16xf32>,
        %mul3A_213 = arith.mulf %get3A_212, %mul3A_101 : vector<16xf32>
        %add3A_214 = arith.addf %mul3A_213, %sub3A_106 : vector<16xf32>
        %max3A_215 = arith.constant 0.000000e+00 : f32
        %max3A_216 = vector.broadcast %max3A_215 : f32 to vector<16xf32>
        %max3A_217 = arith.maximumf %add3A_214, %max3A_216 : vector<16xf32>
        %min3A_218 = arith.constant 1.400000e+01 : f32
        %min3A_219 = vector.broadcast %min3A_218 : f32 to vector<16xf32>
        %min3A_220 = arith.minimumf %max3A_217, %min3A_219 : vector<16xf32>
        %convert_element_type3A_221 = arith.fptosi %min3A_220 : vector<16xf32> to vector<16xi32>
        %convert_element_type3A_222 = arith.sitofp %convert_element_type3A_221 : vector<16xi32> to vector<16xf32>
        %mul3A_223 = vector.broadcast %squeeze3A_111 : f32 to vector<16xf32>
        %mul3A_224 = arith.mulf %mul3A_223, %convert_element_type3A_222 : vector<16xf32>
        %sub3A_225 = vector.broadcast %mul3A_113 : f32 to vector<16xf32>
        %sub3A_226 = arith.subf %mul3A_224, %sub3A_225 : vector<16xf32>
        %sub3A_227 = arith.subf %get3A_212, %sub3A_226 : vector<16xf32>
        %abs3A_228 = math.absf %sub3A_227 : vector<16xf32>
        %add3A_229 = arith.addf %add3A_207, %abs3A_228 : vector<16xf32>
        %add3A_230 = arith.constant 80 : i32
        %add3A_231 = arith.addi %mul3A_123, %add3A_230 : i32
        %get3A_232 = arith.index_cast %scan3A_34 : i32 to index
        %get3A_233 = arith.index_cast %add3A_231 : i32 to index
        %get3A_234 = tpu.vector_load %arg5[%get3A_232, %get3A_233] {strides = array<i32>} : memref<4x2048xf32, #tpu.memory_space<vmem>>, vector<16xf32>,
        %mul3A_235 = arith.mulf %get3A_234, %mul3A_101 : vector<16xf32>
        %add3A_236 = arith.addf %mul3A_235, %sub3A_106 : vector<16xf32>
        %max3A_237 = arith.constant 0.000000e+00 : f32
        %max3A_238 = vector.broadcast %max3A_237 : f32 to vector<16xf32>
        %max3A_239 = arith.maximumf %add3A_236, %max3A_238 : vector<16xf32>
        %min3A_240 = arith.constant 1.400000e+01 : f32
        %min3A_241 = vector.broadcast %min3A_240 : f32 to vector<16xf32>
        %min3A_242 = arith.minimumf %max3A_239, %min3A_241 : vector<16xf32>
        %convert_element_type3A_243 = arith.fptosi %min3A_242 : vector<16xf32> to vector<16xi32>
        %convert_element_type3A_244 = arith.sitofp %convert_element_type3A_243 : vector<16xi32> to vector<16xf32>
        %mul3A_245 = vector.broadcast %squeeze3A_111 : f32 to vector<16xf32>
        %mul3A_246 = arith.mulf %mul3A_245, %convert_element_type3A_244 : vector<16xf32>
        %sub3A_247 = vector.broadcast %mul3A_113 : f32 to vector<16xf32>
        %sub3A_248 = arith.subf %mul3A_246, %sub3A_247 : vector<16xf32>
        %sub3A_249 = arith.subf %get3A_234, %sub3A_248 : vector<16xf32>
        %abs3A_250 = math.absf %sub3A_249 : vector<16xf32>
        %add3A_251 = arith.addf %add3A_229, %abs3A_250 : vector<16xf32>
        %add3A_252 = arith.constant 96 : i32
        %add3A_253 = arith.addi %mul3A_123, %add3A_252 : i32
        %get3A_254 = arith.index_cast %scan3A_34 : i32 to index
        %get3A_255 = arith.index_cast %add3A_253 : i32 to index
        %get3A_256 = tpu.vector_load %arg5[%get3A_254, %get3A_255] {strides = array<i32>} : memref<4x2048xf32, #tpu.memory_space<vmem>>, vector<16xf32>,
        %mul3A_257 = arith.mulf %get3A_256, %mul3A_101 : vector<16xf32>
        %add3A_258 = arith.addf %mul3A_257, %sub3A_106 : vector<16xf32>
        %max3A_259 = arith.constant 0.000000e+00 : f32
        %max3A_260 = vector.broadcast %max3A_259 : f32 to vector<16xf32>
        %max3A_261 = arith.maximumf %add3A_258, %max3A_260 : vector<16xf32>
        %min3A_262 = arith.constant 1.400000e+01 : f32
        %min3A_263 = vector.broadcast %min3A_262 : f32 to vector<16xf32>
        %min3A_264 = arith.minimumf %max3A_261, %min3A_263 : vector<16xf32>
        %convert_element_type3A_265 = arith.fptosi %min3A_264 : vector<16xf32> to vector<16xi32>
        %convert_element_type3A_266 = arith.sitofp %convert_element_type3A_265 : vector<16xi32> to vector<16xf32>
        %mul3A_267 = vector.broadcast %squeeze3A_111 : f32 to vector<16xf32>
        %mul3A_268 = arith.mulf %mul3A_267, %convert_element_type3A_266 : vector<16xf32>
        %sub3A_269 = vector.broadcast %mul3A_113 : f32 to vector<16xf32>
        %sub3A_270 = arith.subf %mul3A_268, %sub3A_269 : vector<16xf32>
        %sub3A_271 = arith.subf %get3A_256, %sub3A_270 : vector<16xf32>
        %abs3A_272 = math.absf %sub3A_271 : vector<16xf32>
        %add3A_273 = arith.addf %add3A_251, %abs3A_272 : vector<16xf32>
        %add3A_274 = arith.constant 112 : i32
        %add3A_275 = arith.addi %mul3A_123, %add3A_274 : i32
        %get3A_276 = arith.index_cast %scan3A_34 : i32 to index
        %get3A_277 = arith.index_cast %add3A_275 : i32 to index
        %get3A_278 = tpu.vector_load %arg5[%get3A_276, %get3A_277] {strides = array<i32>} : memref<4x2048xf32, #tpu.memory_space<vmem>>, vector<16xf32>,
        %mul3A_279 = arith.mulf %get3A_278, %mul3A_101 : vector<16xf32>
        %add3A_280 = arith.addf %mul3A_279, %sub3A_106 : vector<16xf32>
        %max3A_281 = arith.constant 0.000000e+00 : f32
        %max3A_282 = vector.broadcast %max3A_281 : f32 to vector<16xf32>
        %max3A_283 = arith.maximumf %add3A_280, %max3A_282 : vector<16xf32>
        %min3A_284 = arith.constant 1.400000e+01 : f32
        %min3A_285 = vector.broadcast %min3A_284 : f32 to vector<16xf32>
        %min3A_286 = arith.minimumf %max3A_283, %min3A_285 : vector<16xf32>
        %convert_element_type3A_287 = arith.fptosi %min3A_286 : vector<16xf32> to vector<16xi32>
        %convert_element_type3A_288 = arith.sitofp %convert_element_type3A_287 : vector<16xi32> to vector<16xf32>
        %mul3A_289 = vector.broadcast %squeeze3A_111 : f32 to vector<16xf32>
        %mul3A_290 = arith.mulf %mul3A_289, %convert_element_type3A_288 : vector<16xf32>
        %sub3A_291 = vector.broadcast %mul3A_113 : f32 to vector<16xf32>
        %sub3A_292 = arith.subf %mul3A_290, %sub3A_291 : vector<16xf32>
        %sub3A_293 = arith.subf %get3A_278, %sub3A_292 : vector<16xf32>
        %abs3A_294 = math.absf %sub3A_293 : vector<16xf32>
        %add3A_295 = arith.addf %add3A_273, %abs3A_294 : vector<16xf32>
        scf.yield %add3A_295 : vector<16xf32>
      }
      %scan3A_119 = arith.constant 16 : i32
      scf.yield %scan3A_118 : vector<16xf32>
    }
    %scan3A_22 = arith.constant 4 : i32
    %dma_wait3A_23 = arith.constant 0 : i32
    %dma_wait3A_24 = tpu.memref_slice %arg2[%add3A_9, %dma_wait3A_23] : memref<2048x2048xf32, #tpu.memory_space<hbm>> -> memref<4x2048xf32, #tpu.memory_space<hbm>>
    %dma_wait3A_25 = arith.constant 0 : i32
    %dma_wait3A_26 = tpu.memref_slice %arg2[%add3A_9, %dma_wait3A_25] : memref<2048x2048xf32, #tpu.memory_space<hbm>> -> memref<4x2048xf32, #tpu.memory_space<hbm>>
    tpu.wait_dma2 semaphore(%arg10 : memref<!tpu.dma_semaphore, #tpu.memory_space<semaphore_mem>>) src(%dma_wait3A_26 : memref<4x2048xf32, #tpu.memory_space<hbm>>) dst(%arg6 : memref<4x2048xf32, #tpu.memory_space<vmem>>)
    %scan3A_27 = arith.constant 0 : i32
    %scan3A_28 = arith.constant 4 : i32
    %scan3A_29 = arith.addi %scan3A_27, %scan3A_28 : i32
    %scan3A_30 = arith.constant 1 : i32
    %scan3A_31 = scf.for %scan3A_34 = %scan3A_27 to %scan3A_29 step %scan3A_30 iter_args(%scan3A_35 = %scan3A_21) -> (vector<16xf32>)  : i32 {
      %broadcast_in_dim3A_36 = arith.constant 0.000000e+00 : f32
      %broadcast_in_dim3A_37 = vector.broadcast %broadcast_in_dim3A_36 : f32 to vector<16xf32>
      %scan3A_38 = arith.constant 0 : i32
      %scan3A_39 = arith.constant 16 : i32
      %scan3A_40 = arith.addi %scan3A_38, %scan3A_39 : i32
      %scan3A_41 = arith.constant 1 : i32
      %scan3A_42:2 = scf.for %scan3A_120 = %scan3A_38 to %scan3A_40 step %scan3A_41 iter_args(%scan3A_121 = %broadcast_in_dim3A_37, %scan3A_122 = %broadcast_in_dim3A_37) -> (vector<16xf32>, vector<16xf32>)  : i32 {
        %mul3A_123 = arith.constant 128 : i32
        %mul3A_124 = arith.muli %scan3A_120, %mul3A_123 : i32
        %add3A_125 = arith.constant 0 : i32
        %add3A_126 = arith.addi %mul3A_124, %add3A_125 : i32
        %get3A_127 = arith.index_cast %scan3A_34 : i32 to index
        %get3A_128 = arith.index_cast %add3A_126 : i32 to index
        %get3A_129 = tpu.vector_load %arg6[%get3A_127, %get3A_128] {strides = array<i32>} : memref<4x2048xf32, #tpu.memory_space<vmem>>, vector<16xf32>,
        %add3A_130 = arith.addf %scan3A_121, %get3A_129 : vector<16xf32>
        %mul3A_131 = arith.mulf %get3A_129, %get3A_129 : vector<16xf32>
        %add3A_132 = arith.addf %scan3A_122, %mul3A_131 : vector<16xf32>
        %add3A_133 = arith.constant 16 : i32
        %add3A_134 = arith.addi %mul3A_124, %add3A_133 : i32
        %get3A_135 = arith.index_cast %scan3A_34 : i32 to index
        %get3A_136 = arith.index_cast %add3A_134 : i32 to index
        %get3A_137 = tpu.vector_load %arg6[%get3A_135, %get3A_136] {strides = array<i32>} : memref<4x2048xf32, #tpu.memory_space<vmem>>, vector<16xf32>,
        %add3A_138 = arith.addf %add3A_130, %get3A_137 : vector<16xf32>
        %mul3A_139 = arith.mulf %get3A_137, %get3A_137 : vector<16xf32>
        %add3A_140 = arith.addf %add3A_132, %mul3A_139 : vector<16xf32>
        %add3A_141 = arith.constant 32 : i32
        %add3A_142 = arith.addi %mul3A_124, %add3A_141 : i32
        %get3A_143 = arith.index_cast %scan3A_34 : i32 to index
        %get3A_144 = arith.index_cast %add3A_142 : i32 to index
        %get3A_145 = tpu.vector_load %arg6[%get3A_143, %get3A_144] {strides = array<i32>} : memref<4x2048xf32, #tpu.memory_space<vmem>>, vector<16xf32>,
        %add3A_146 = arith.addf %add3A_138, %get3A_145 : vector<16xf32>
        %mul3A_147 = arith.mulf %get3A_145, %get3A_145 : vector<16xf32>
        %add3A_148 = arith.addf %add3A_140, %mul3A_147 : vector<16xf32>
        %add3A_149 = arith.constant 48 : i32
        %add3A_150 = arith.addi %mul3A_124, %add3A_149 : i32
        %get3A_151 = arith.index_cast %scan3A_34 : i32 to index
        %get3A_152 = arith.index_cast %add3A_150 : i32 to index
        %get3A_153 = tpu.vector_load %arg6[%get3A_151, %get3A_152] {strides = array<i32>} : memref<4x2048xf32, #tpu.memory_space<vmem>>, vector<16xf32>,
        %add3A_154 = arith.addf %add3A_146, %get3A_153 : vector<16xf32>
        %mul3A_155 = arith.mulf %get3A_153, %get3A_153 : vector<16xf32>
        %add3A_156 = arith.addf %add3A_148, %mul3A_155 : vector<16xf32>
        %add3A_157 = arith.constant 64 : i32
        %add3A_158 = arith.addi %mul3A_124, %add3A_157 : i32
        %get3A_159 = arith.index_cast %scan3A_34 : i32 to index
        %get3A_160 = arith.index_cast %add3A_158 : i32 to index
        %get3A_161 = tpu.vector_load %arg6[%get3A_159, %get3A_160] {strides = array<i32>} : memref<4x2048xf32, #tpu.memory_space<vmem>>, vector<16xf32>,
        %add3A_162 = arith.addf %add3A_154, %get3A_161 : vector<16xf32>
        %mul3A_163 = arith.mulf %get3A_161, %get3A_161 : vector<16xf32>
        %add3A_164 = arith.addf %add3A_156, %mul3A_163 : vector<16xf32>
        %add3A_165 = arith.constant 80 : i32
        %add3A_166 = arith.addi %mul3A_124, %add3A_165 : i32
        %get3A_167 = arith.index_cast %scan3A_34 : i32 to index
        %get3A_168 = arith.index_cast %add3A_166 : i32 to index
        %get3A_169 = tpu.vector_load %arg6[%get3A_167, %get3A_168] {strides = array<i32>} : memref<4x2048xf32, #tpu.memory_space<vmem>>, vector<16xf32>,
        %add3A_170 = arith.addf %add3A_162, %get3A_169 : vector<16xf32>
        %mul3A_171 = arith.mulf %get3A_169, %get3A_169 : vector<16xf32>
        %add3A_172 = arith.addf %add3A_164, %mul3A_171 : vector<16xf32>
        %add3A_173 = arith.constant 96 : i32
        %add3A_174 = arith.addi %mul3A_124, %add3A_173 : i32
        %get3A_175 = arith.index_cast %scan3A_34 : i32 to index
        %get3A_176 = arith.index_cast %add3A_174 : i32 to index
        %get3A_177 = tpu.vector_load %arg6[%get3A_175, %get3A_176] {strides = array<i32>} : memref<4x2048xf32, #tpu.memory_space<vmem>>, vector<16xf32>,
        %add3A_178 = arith.addf %add3A_170, %get3A_177 : vector<16xf32>
        %mul3A_179 = arith.mulf %get3A_177, %get3A_177 : vector<16xf32>
        %add3A_180 = arith.addf %add3A_172, %mul3A_179 : vector<16xf32>
        %add3A_181 = arith.constant 112 : i32
        %add3A_182 = arith.addi %mul3A_124, %add3A_181 : i32
        %get3A_183 = arith.index_cast %scan3A_34 : i32 to index
        %get3A_184 = arith.index_cast %add3A_182 : i32 to index
        %get3A_185 = tpu.vector_load %arg6[%get3A_183, %get3A_184] {strides = array<i32>} : memref<4x2048xf32, #tpu.memory_space<vmem>>, vector<16xf32>,
        %add3A_186 = arith.addf %add3A_178, %get3A_185 : vector<16xf32>
        %mul3A_187 = arith.mulf %get3A_185, %get3A_185 : vector<16xf32>
        %add3A_188 = arith.addf %add3A_180, %mul3A_187 : vector<16xf32>
        scf.yield %add3A_186, %add3A_188 : vector<16xf32>, vector<16xf32>
      }
      %scan3A_43 = arith.constant 16 : i32
      %broadcast_in_dim3A_44 = arith.constant true
      %broadcast_in_dim3A_45 = vector.broadcast %broadcast_in_dim3A_44 : i1 to vector<16xi1>
      %masked_cumsum3A = tpu.scan <sum>, %scan3A_42#0 masked %broadcast_in_dim3A_45 : vector<16xf32>, vector<16xi1> -> vector<16xf32>
      %slice3A = vector.extract_strided_slice %masked_cumsum3A {offsets = [15], sizes = [1], strides = [1]} : vector<16xf32> to vector<1xf32>
      %squeeze3A = vector.extract %slice3A[0] : f32 from vector<1xf32>
      %broadcast_in_dim3A_46 = arith.constant true
      %broadcast_in_dim3A_47 = vector.broadcast %broadcast_in_dim3A_46 : i1 to vector<16xi1>
      %masked_cumsum3A_48 = tpu.scan <sum>, %scan3A_42#1 masked %broadcast_in_dim3A_47 : vector<16xf32>, vector<16xi1> -> vector<16xf32>
      %slice3A_49 = vector.extract_strided_slice %masked_cumsum3A_48 {offsets = [15], sizes = [1], strides = [1]} : vector<16xf32> to vector<1xf32>
      %squeeze3A_50 = vector.extract %slice3A_49[0] : f32 from vector<1xf32>
      %mul3A_51 = arith.constant 4.8828125E-4 : f32
      %mul3A_52 = arith.mulf %squeeze3A, %mul3A_51 : f32
      %mul3A_53 = arith.mulf %squeeze3A, %mul3A_52 : f32
      %sub3A = arith.subf %squeeze3A_50, %mul3A_53 : f32
      %mul3A_54 = arith.constant 4.88519785E-4 : f32
      %mul3A_55 = arith.mulf %sub3A, %mul3A_54 : f32
      %broadcast_in_dim3A_56 = vector.broadcast %mul3A_55 : f32 to vector<16xf32>
      %bitcast_convert_type3A = tpu.bitcast %broadcast_in_dim3A_56 : vector<16xf32> -> vector<16xi32>
      %shift_right_arithmetic3A = arith.constant 1 : i32
      %shift_right_arithmetic3A_57 = vector.broadcast %shift_right_arithmetic3A : i32 to vector<16xi32>
      %shift_right_arithmetic3A_58 = arith.shrsi %bitcast_convert_type3A, %shift_right_arithmetic3A_57 : vector<16xi32>
      %sub3A_59 = arith.constant 1597463007 : i32
      %sub3A_60 = vector.broadcast %sub3A_59 : i32 to vector<16xi32>
      %sub3A_61 = arith.subi %sub3A_60, %shift_right_arithmetic3A_58 : vector<16xi32>
      %bitcast_convert_type3A_62 = tpu.bitcast %sub3A_61 : vector<16xi32> -> vector<16xf32>
      %mul3A_63 = arith.constant 5.000000e-01 : f32
      %mul3A_64 = vector.broadcast %mul3A_63 : f32 to vector<16xf32>
      %mul3A_65 = arith.mulf %mul3A_64, %broadcast_in_dim3A_56 : vector<16xf32>
      %mul3A_66 = arith.mulf %mul3A_65, %bitcast_convert_type3A_62 : vector<16xf32>
      %mul3A_67 = arith.mulf %mul3A_66, %bitcast_convert_type3A_62 : vector<16xf32>
      %sub3A_68 = arith.constant 1.500000e+00 : f32
      %sub3A_69 = vector.broadcast %sub3A_68 : f32 to vector<16xf32>
      %sub3A_70 = arith.subf %sub3A_69, %mul3A_67 : vector<16xf32>
      %mul3A_71 = arith.mulf %bitcast_convert_type3A_62, %sub3A_70 : vector<16xf32>
      %mul3A_72 = arith.constant 5.000000e-01 : f32
      %mul3A_73 = vector.broadcast %mul3A_72 : f32 to vector<16xf32>
      %mul3A_74 = arith.mulf %mul3A_73, %broadcast_in_dim3A_56 : vector<16xf32>
      %mul3A_75 = arith.mulf %mul3A_74, %mul3A_71 : vector<16xf32>
      %mul3A_76 = arith.mulf %mul3A_75, %mul3A_71 : vector<16xf32>
      %sub3A_77 = arith.constant 1.500000e+00 : f32
      %sub3A_78 = vector.broadcast %sub3A_77 : f32 to vector<16xf32>
      %sub3A_79 = arith.subf %sub3A_78, %mul3A_76 : vector<16xf32>
      %mul3A_80 = arith.mulf %mul3A_71, %sub3A_79 : vector<16xf32>
      %mul3A_81 = arith.constant 5.000000e-01 : f32
      %mul3A_82 = vector.broadcast %mul3A_81 : f32 to vector<16xf32>
      %mul3A_83 = arith.mulf %mul3A_82, %broadcast_in_dim3A_56 : vector<16xf32>
      %mul3A_84 = arith.mulf %mul3A_83, %mul3A_80 : vector<16xf32>
      %mul3A_85 = arith.mulf %mul3A_84, %mul3A_80 : vector<16xf32>
      %sub3A_86 = arith.constant 1.500000e+00 : f32
      %sub3A_87 = vector.broadcast %sub3A_86 : f32 to vector<16xf32>
      %sub3A_88 = arith.subf %sub3A_87, %mul3A_85 : vector<16xf32>
      %mul3A_89 = arith.mulf %mul3A_80, %sub3A_88 : vector<16xf32>
      %mul3A_90 = arith.constant 5.000000e-01 : f32
      %mul3A_91 = vector.broadcast %mul3A_90 : f32 to vector<16xf32>
      %mul3A_92 = arith.mulf %mul3A_91, %broadcast_in_dim3A_56 : vector<16xf32>
      %mul3A_93 = arith.mulf %mul3A_92, %mul3A_89 : vector<16xf32>
      %mul3A_94 = arith.mulf %mul3A_93, %mul3A_89 : vector<16xf32>
      %sub3A_95 = arith.constant 1.500000e+00 : f32
      %sub3A_96 = vector.broadcast %sub3A_95 : f32 to vector<16xf32>
      %sub3A_97 = arith.subf %sub3A_96, %mul3A_94 : vector<16xf32>
      %mul3A_98 = arith.mulf %mul3A_89, %sub3A_97 : vector<16xf32>
      %mul3A_99 = arith.constant 3.750000e+00 : f32
      %mul3A_100 = vector.broadcast %mul3A_99 : f32 to vector<16xf32>
      %mul3A_101 = arith.mulf %mul3A_100, %mul3A_98 : vector<16xf32>
      %mul3A_102 = vector.broadcast %mul3A_52 : f32 to vector<16xf32>
      %mul3A_103 = arith.mulf %mul3A_102, %mul3A_101 : vector<16xf32>
      %sub3A_104 = arith.constant 7.500000e+00 : f32
      %sub3A_105 = vector.broadcast %sub3A_104 : f32 to vector<16xf32>
      %sub3A_106 = arith.subf %sub3A_105, %mul3A_103 : vector<16xf32>
      %add3A_107 = arith.constant 4 : i32
      %add3A_108 = arith.addi %add3A_107, %scan3A_34 : i32
      %get3A = arith.index_cast %add3A_108 : i32 to index
      %get3A_109 = tpu.vector_load %arg7[%get3A] {strides = array<i32>} : memref<24xf32, #tpu.memory_space<vmem>>, vector<16xf32>,
      %slice3A_110 = vector.extract_strided_slice %get3A_109 {offsets = [0], sizes = [1], strides = [1]} : vector<16xf32> to vector<1xf32>
      %squeeze3A_111 = vector.extract %slice3A_110[0] : f32 from vector<1xf32>
      %mul3A_112 = arith.constant 7.000000e+00 : f32
      %mul3A_113 = arith.mulf %squeeze3A_111, %mul3A_112 : f32
      %scan3A_114 = arith.constant 0 : i32
      %scan3A_115 = arith.constant 16 : i32
      %scan3A_116 = arith.addi %scan3A_114, %scan3A_115 : i32
      %scan3A_117 = arith.constant 1 : i32
      %scan3A_118 = scf.for %scan3A_120 = %scan3A_114 to %scan3A_116 step %scan3A_117 iter_args(%scan3A_121 = %scan3A_35) -> (vector<16xf32>)  : i32 {
        %mul3A_122 = arith.constant 128 : i32
        %mul3A_123 = arith.muli %scan3A_120, %mul3A_122 : i32
        %add3A_124 = arith.constant 0 : i32
        %add3A_125 = arith.addi %mul3A_123, %add3A_124 : i32
        %get3A_126 = arith.index_cast %scan3A_34 : i32 to index
        %get3A_127 = arith.index_cast %add3A_125 : i32 to index
        %get3A_128 = tpu.vector_load %arg6[%get3A_126, %get3A_127] {strides = array<i32>} : memref<4x2048xf32, #tpu.memory_space<vmem>>, vector<16xf32>,
        %mul3A_129 = arith.mulf %get3A_128, %mul3A_101 : vector<16xf32>
        %add3A_130 = arith.addf %mul3A_129, %sub3A_106 : vector<16xf32>
        %max3A = arith.constant 0.000000e+00 : f32
        %max3A_131 = vector.broadcast %max3A : f32 to vector<16xf32>
        %max3A_132 = arith.maximumf %add3A_130, %max3A_131 : vector<16xf32>
        %min3A = arith.constant 1.400000e+01 : f32
        %min3A_133 = vector.broadcast %min3A : f32 to vector<16xf32>
        %min3A_134 = arith.minimumf %max3A_132, %min3A_133 : vector<16xf32>
        %convert_element_type3A = arith.fptosi %min3A_134 : vector<16xf32> to vector<16xi32>
        %convert_element_type3A_135 = arith.sitofp %convert_element_type3A : vector<16xi32> to vector<16xf32>
        %mul3A_136 = vector.broadcast %squeeze3A_111 : f32 to vector<16xf32>
        %mul3A_137 = arith.mulf %mul3A_136, %convert_element_type3A_135 : vector<16xf32>
        %sub3A_138 = vector.broadcast %mul3A_113 : f32 to vector<16xf32>
        %sub3A_139 = arith.subf %mul3A_137, %sub3A_138 : vector<16xf32>
        %sub3A_140 = arith.subf %get3A_128, %sub3A_139 : vector<16xf32>
        %abs3A = math.absf %sub3A_140 : vector<16xf32>
        %add3A_141 = arith.addf %scan3A_121, %abs3A : vector<16xf32>
        %add3A_142 = arith.constant 16 : i32
        %add3A_143 = arith.addi %mul3A_123, %add3A_142 : i32
        %get3A_144 = arith.index_cast %scan3A_34 : i32 to index
        %get3A_145 = arith.index_cast %add3A_143 : i32 to index
        %get3A_146 = tpu.vector_load %arg6[%get3A_144, %get3A_145] {strides = array<i32>} : memref<4x2048xf32, #tpu.memory_space<vmem>>, vector<16xf32>,
        %mul3A_147 = arith.mulf %get3A_146, %mul3A_101 : vector<16xf32>
        %add3A_148 = arith.addf %mul3A_147, %sub3A_106 : vector<16xf32>
        %max3A_149 = arith.constant 0.000000e+00 : f32
        %max3A_150 = vector.broadcast %max3A_149 : f32 to vector<16xf32>
        %max3A_151 = arith.maximumf %add3A_148, %max3A_150 : vector<16xf32>
        %min3A_152 = arith.constant 1.400000e+01 : f32
        %min3A_153 = vector.broadcast %min3A_152 : f32 to vector<16xf32>
        %min3A_154 = arith.minimumf %max3A_151, %min3A_153 : vector<16xf32>
        %convert_element_type3A_155 = arith.fptosi %min3A_154 : vector<16xf32> to vector<16xi32>
        %convert_element_type3A_156 = arith.sitofp %convert_element_type3A_155 : vector<16xi32> to vector<16xf32>
        %mul3A_157 = vector.broadcast %squeeze3A_111 : f32 to vector<16xf32>
        %mul3A_158 = arith.mulf %mul3A_157, %convert_element_type3A_156 : vector<16xf32>
        %sub3A_159 = vector.broadcast %mul3A_113 : f32 to vector<16xf32>
        %sub3A_160 = arith.subf %mul3A_158, %sub3A_159 : vector<16xf32>
        %sub3A_161 = arith.subf %get3A_146, %sub3A_160 : vector<16xf32>
        %abs3A_162 = math.absf %sub3A_161 : vector<16xf32>
        %add3A_163 = arith.addf %add3A_141, %abs3A_162 : vector<16xf32>
        %add3A_164 = arith.constant 32 : i32
        %add3A_165 = arith.addi %mul3A_123, %add3A_164 : i32
        %get3A_166 = arith.index_cast %scan3A_34 : i32 to index
        %get3A_167 = arith.index_cast %add3A_165 : i32 to index
        %get3A_168 = tpu.vector_load %arg6[%get3A_166, %get3A_167] {strides = array<i32>} : memref<4x2048xf32, #tpu.memory_space<vmem>>, vector<16xf32>,
        %mul3A_169 = arith.mulf %get3A_168, %mul3A_101 : vector<16xf32>
        %add3A_170 = arith.addf %mul3A_169, %sub3A_106 : vector<16xf32>
        %max3A_171 = arith.constant 0.000000e+00 : f32
        %max3A_172 = vector.broadcast %max3A_171 : f32 to vector<16xf32>
        %max3A_173 = arith.maximumf %add3A_170, %max3A_172 : vector<16xf32>
        %min3A_174 = arith.constant 1.400000e+01 : f32
        %min3A_175 = vector.broadcast %min3A_174 : f32 to vector<16xf32>
        %min3A_176 = arith.minimumf %max3A_173, %min3A_175 : vector<16xf32>
        %convert_element_type3A_177 = arith.fptosi %min3A_176 : vector<16xf32> to vector<16xi32>
        %convert_element_type3A_178 = arith.sitofp %convert_element_type3A_177 : vector<16xi32> to vector<16xf32>
        %mul3A_179 = vector.broadcast %squeeze3A_111 : f32 to vector<16xf32>
        %mul3A_180 = arith.mulf %mul3A_179, %convert_element_type3A_178 : vector<16xf32>
        %sub3A_181 = vector.broadcast %mul3A_113 : f32 to vector<16xf32>
        %sub3A_182 = arith.subf %mul3A_180, %sub3A_181 : vector<16xf32>
        %sub3A_183 = arith.subf %get3A_168, %sub3A_182 : vector<16xf32>
        %abs3A_184 = math.absf %sub3A_183 : vector<16xf32>
        %add3A_185 = arith.addf %add3A_163, %abs3A_184 : vector<16xf32>
        %add3A_186 = arith.constant 48 : i32
        %add3A_187 = arith.addi %mul3A_123, %add3A_186 : i32
        %get3A_188 = arith.index_cast %scan3A_34 : i32 to index
        %get3A_189 = arith.index_cast %add3A_187 : i32 to index
        %get3A_190 = tpu.vector_load %arg6[%get3A_188, %get3A_189] {strides = array<i32>} : memref<4x2048xf32, #tpu.memory_space<vmem>>, vector<16xf32>,
        %mul3A_191 = arith.mulf %get3A_190, %mul3A_101 : vector<16xf32>
        %add3A_192 = arith.addf %mul3A_191, %sub3A_106 : vector<16xf32>
        %max3A_193 = arith.constant 0.000000e+00 : f32
        %max3A_194 = vector.broadcast %max3A_193 : f32 to vector<16xf32>
        %max3A_195 = arith.maximumf %add3A_192, %max3A_194 : vector<16xf32>
        %min3A_196 = arith.constant 1.400000e+01 : f32
        %min3A_197 = vector.broadcast %min3A_196 : f32 to vector<16xf32>
        %min3A_198 = arith.minimumf %max3A_195, %min3A_197 : vector<16xf32>
        %convert_element_type3A_199 = arith.fptosi %min3A_198 : vector<16xf32> to vector<16xi32>
        %convert_element_type3A_200 = arith.sitofp %convert_element_type3A_199 : vector<16xi32> to vector<16xf32>
        %mul3A_201 = vector.broadcast %squeeze3A_111 : f32 to vector<16xf32>
        %mul3A_202 = arith.mulf %mul3A_201, %convert_element_type3A_200 : vector<16xf32>
        %sub3A_203 = vector.broadcast %mul3A_113 : f32 to vector<16xf32>
        %sub3A_204 = arith.subf %mul3A_202, %sub3A_203 : vector<16xf32>
        %sub3A_205 = arith.subf %get3A_190, %sub3A_204 : vector<16xf32>
        %abs3A_206 = math.absf %sub3A_205 : vector<16xf32>
        %add3A_207 = arith.addf %add3A_185, %abs3A_206 : vector<16xf32>
        %add3A_208 = arith.constant 64 : i32
        %add3A_209 = arith.addi %mul3A_123, %add3A_208 : i32
        %get3A_210 = arith.index_cast %scan3A_34 : i32 to index
        %get3A_211 = arith.index_cast %add3A_209 : i32 to index
        %get3A_212 = tpu.vector_load %arg6[%get3A_210, %get3A_211] {strides = array<i32>} : memref<4x2048xf32, #tpu.memory_space<vmem>>, vector<16xf32>,
        %mul3A_213 = arith.mulf %get3A_212, %mul3A_101 : vector<16xf32>
        %add3A_214 = arith.addf %mul3A_213, %sub3A_106 : vector<16xf32>
        %max3A_215 = arith.constant 0.000000e+00 : f32
        %max3A_216 = vector.broadcast %max3A_215 : f32 to vector<16xf32>
        %max3A_217 = arith.maximumf %add3A_214, %max3A_216 : vector<16xf32>
        %min3A_218 = arith.constant 1.400000e+01 : f32
        %min3A_219 = vector.broadcast %min3A_218 : f32 to vector<16xf32>
        %min3A_220 = arith.minimumf %max3A_217, %min3A_219 : vector<16xf32>
        %convert_element_type3A_221 = arith.fptosi %min3A_220 : vector<16xf32> to vector<16xi32>
        %convert_element_type3A_222 = arith.sitofp %convert_element_type3A_221 : vector<16xi32> to vector<16xf32>
        %mul3A_223 = vector.broadcast %squeeze3A_111 : f32 to vector<16xf32>
        %mul3A_224 = arith.mulf %mul3A_223, %convert_element_type3A_222 : vector<16xf32>
        %sub3A_225 = vector.broadcast %mul3A_113 : f32 to vector<16xf32>
        %sub3A_226 = arith.subf %mul3A_224, %sub3A_225 : vector<16xf32>
        %sub3A_227 = arith.subf %get3A_212, %sub3A_226 : vector<16xf32>
        %abs3A_228 = math.absf %sub3A_227 : vector<16xf32>
        %add3A_229 = arith.addf %add3A_207, %abs3A_228 : vector<16xf32>
        %add3A_230 = arith.constant 80 : i32
        %add3A_231 = arith.addi %mul3A_123, %add3A_230 : i32
        %get3A_232 = arith.index_cast %scan3A_34 : i32 to index
        %get3A_233 = arith.index_cast %add3A_231 : i32 to index
        %get3A_234 = tpu.vector_load %arg6[%get3A_232, %get3A_233] {strides = array<i32>} : memref<4x2048xf32, #tpu.memory_space<vmem>>, vector<16xf32>,
        %mul3A_235 = arith.mulf %get3A_234, %mul3A_101 : vector<16xf32>
        %add3A_236 = arith.addf %mul3A_235, %sub3A_106 : vector<16xf32>
        %max3A_237 = arith.constant 0.000000e+00 : f32
        %max3A_238 = vector.broadcast %max3A_237 : f32 to vector<16xf32>
        %max3A_239 = arith.maximumf %add3A_236, %max3A_238 : vector<16xf32>
        %min3A_240 = arith.constant 1.400000e+01 : f32
        %min3A_241 = vector.broadcast %min3A_240 : f32 to vector<16xf32>
        %min3A_242 = arith.minimumf %max3A_239, %min3A_241 : vector<16xf32>
        %convert_element_type3A_243 = arith.fptosi %min3A_242 : vector<16xf32> to vector<16xi32>
        %convert_element_type3A_244 = arith.sitofp %convert_element_type3A_243 : vector<16xi32> to vector<16xf32>
        %mul3A_245 = vector.broadcast %squeeze3A_111 : f32 to vector<16xf32>
        %mul3A_246 = arith.mulf %mul3A_245, %convert_element_type3A_244 : vector<16xf32>
        %sub3A_247 = vector.broadcast %mul3A_113 : f32 to vector<16xf32>
        %sub3A_248 = arith.subf %mul3A_246, %sub3A_247 : vector<16xf32>
        %sub3A_249 = arith.subf %get3A_234, %sub3A_248 : vector<16xf32>
        %abs3A_250 = math.absf %sub3A_249 : vector<16xf32>
        %add3A_251 = arith.addf %add3A_229, %abs3A_250 : vector<16xf32>
        %add3A_252 = arith.constant 96 : i32
        %add3A_253 = arith.addi %mul3A_123, %add3A_252 : i32
        %get3A_254 = arith.index_cast %scan3A_34 : i32 to index
        %get3A_255 = arith.index_cast %add3A_253 : i32 to index
        %get3A_256 = tpu.vector_load %arg6[%get3A_254, %get3A_255] {strides = array<i32>} : memref<4x2048xf32, #tpu.memory_space<vmem>>, vector<16xf32>,
        %mul3A_257 = arith.mulf %get3A_256, %mul3A_101 : vector<16xf32>
        %add3A_258 = arith.addf %mul3A_257, %sub3A_106 : vector<16xf32>
        %max3A_259 = arith.constant 0.000000e+00 : f32
        %max3A_260 = vector.broadcast %max3A_259 : f32 to vector<16xf32>
        %max3A_261 = arith.maximumf %add3A_258, %max3A_260 : vector<16xf32>
        %min3A_262 = arith.constant 1.400000e+01 : f32
        %min3A_263 = vector.broadcast %min3A_262 : f32 to vector<16xf32>
        %min3A_264 = arith.minimumf %max3A_261, %min3A_263 : vector<16xf32>
        %convert_element_type3A_265 = arith.fptosi %min3A_264 : vector<16xf32> to vector<16xi32>
        %convert_element_type3A_266 = arith.sitofp %convert_element_type3A_265 : vector<16xi32> to vector<16xf32>
        %mul3A_267 = vector.broadcast %squeeze3A_111 : f32 to vector<16xf32>
        %mul3A_268 = arith.mulf %mul3A_267, %convert_element_type3A_266 : vector<16xf32>
        %sub3A_269 = vector.broadcast %mul3A_113 : f32 to vector<16xf32>
        %sub3A_270 = arith.subf %mul3A_268, %sub3A_269 : vector<16xf32>
        %sub3A_271 = arith.subf %get3A_256, %sub3A_270 : vector<16xf32>
        %abs3A_272 = math.absf %sub3A_271 : vector<16xf32>
        %add3A_273 = arith.addf %add3A_251, %abs3A_272 : vector<16xf32>
        %add3A_274 = arith.constant 112 : i32
        %add3A_275 = arith.addi %mul3A_123, %add3A_274 : i32
        %get3A_276 = arith.index_cast %scan3A_34 : i32 to index
        %get3A_277 = arith.index_cast %add3A_275 : i32 to index
        %get3A_278 = tpu.vector_load %arg6[%get3A_276, %get3A_277] {strides = array<i32>} : memref<4x2048xf32, #tpu.memory_space<vmem>>, vector<16xf32>,
        %mul3A_279 = arith.mulf %get3A_278, %mul3A_101 : vector<16xf32>
        %add3A_280 = arith.addf %mul3A_279, %sub3A_106 : vector<16xf32>
        %max3A_281 = arith.constant 0.000000e+00 : f32
        %max3A_282 = vector.broadcast %max3A_281 : f32 to vector<16xf32>
        %max3A_283 = arith.maximumf %add3A_280, %max3A_282 : vector<16xf32>
        %min3A_284 = arith.constant 1.400000e+01 : f32
        %min3A_285 = vector.broadcast %min3A_284 : f32 to vector<16xf32>
        %min3A_286 = arith.minimumf %max3A_283, %min3A_285 : vector<16xf32>
        %convert_element_type3A_287 = arith.fptosi %min3A_286 : vector<16xf32> to vector<16xi32>
        %convert_element_type3A_288 = arith.sitofp %convert_element_type3A_287 : vector<16xi32> to vector<16xf32>
        %mul3A_289 = vector.broadcast %squeeze3A_111 : f32 to vector<16xf32>
        %mul3A_290 = arith.mulf %mul3A_289, %convert_element_type3A_288 : vector<16xf32>
        %sub3A_291 = vector.broadcast %mul3A_113 : f32 to vector<16xf32>
        %sub3A_292 = arith.subf %mul3A_290, %sub3A_291 : vector<16xf32>
        %sub3A_293 = arith.subf %get3A_278, %sub3A_292 : vector<16xf32>
        %abs3A_294 = math.absf %sub3A_293 : vector<16xf32>
        %add3A_295 = arith.addf %add3A_273, %abs3A_294 : vector<16xf32>
        scf.yield %add3A_295 : vector<16xf32>
      }
      %scan3A_119 = arith.constant 16 : i32
      scf.yield %scan3A_118 : vector<16xf32>
    }
    %scan3A_32 = arith.constant 4 : i32
    %swap3A = arith.constant 0 : index
    %swap3A_33 = tpu.vector_load %arg8[%swap3A] {strides = array<i32>} : memref<16xf32, #tpu.memory_space<vmem>>, vector<16xf32>,
    tpu.vector_store %arg8[%swap3A], %scan3A_31 {strides = array<i32>} : memref<16xf32, #tpu.memory_space<vmem>>, vector<16xf32>,
    "tpu.region"() ({
      %run_scoped3A = tpu.sem_alloc : memref<!tpu.dma_semaphore, #tpu.memory_space<semaphore_mem>>
      %dma_start3A_34 = arith.constant 0 : i32
      %dma_start3A_35 = tpu.memref_slice %arg4[%add3A, %dma_start3A_34] : memref<32x16xf32, #tpu.memory_space<hbm>> -> memref<1x16xf32, #tpu.memory_space<hbm>>
      %dma_start3A_36 = tpu.memref_squeeze %dma_start3A_35 : memref<1x16xf32, #tpu.memory_space<hbm>> -> memref<16xf32, #tpu.memory_space<hbm>>
      %dma_start3A_37 = arith.constant 0 : i32
      %dma_start3A_38 = tpu.memref_slice %arg4[%add3A, %dma_start3A_37] : memref<32x16xf32, #tpu.memory_space<hbm>> -> memref<1x16xf32, #tpu.memory_space<hbm>>
      %dma_start3A_39 = tpu.memref_squeeze %dma_start3A_38 : memref<1x16xf32, #tpu.memory_space<hbm>> -> memref<16xf32, #tpu.memory_space<hbm>>
      tpu.enqueue_dma source(%arg8 : memref<16xf32, #tpu.memory_space<vmem>>) target(%dma_start3A_39 : memref<16xf32, #tpu.memory_space<hbm>>) target_semaphore(%run_scoped3A : memref<!tpu.dma_semaphore, #tpu.memory_space<semaphore_mem>>)
      %dma_wait3A_40 = arith.constant 0 : i32
      %dma_wait3A_41 = tpu.memref_slice %arg4[%add3A, %dma_wait3A_40] : memref<32x16xf32, #tpu.memory_space<hbm>> -> memref<1x16xf32, #tpu.memory_space<hbm>>
      %dma_wait3A_42 = tpu.memref_squeeze %dma_wait3A_41 : memref<1x16xf32, #tpu.memory_space<hbm>> -> memref<16xf32, #tpu.memory_space<hbm>>
      %dma_wait3A_43 = arith.constant 0 : i32
      %dma_wait3A_44 = tpu.memref_slice %arg4[%add3A, %dma_wait3A_43] : memref<32x16xf32, #tpu.memory_space<hbm>> -> memref<1x16xf32, #tpu.memory_space<hbm>>
      %dma_wait3A_45 = tpu.memref_squeeze %dma_wait3A_44 : memref<1x16xf32, #tpu.memory_space<hbm>> -> memref<16xf32, #tpu.memory_space<hbm>>
      tpu.wait_dma2 semaphore(%run_scoped3A : memref<!tpu.dma_semaphore, #tpu.memory_space<semaphore_mem>>) src(%arg8 : memref<16xf32, #tpu.memory_space<vmem>>) dst(%dma_wait3A_45 : memref<16xf32, #tpu.memory_space<hbm>>)
      tpu.yield
    }) : () -> ()
    return
  }
}

module attributes {stable_mosaic.version = 14 : i64} {
  func.func @_tc_body(%arg0: i32, %arg1: memref<256x2048xf32, #tpu.memory_space<vmem>>, %arg2: memref<256x1xf32, #tpu.memory_space<vmem>>, %arg3: memref<1x1xf32, #tpu.memory_space<vmem>>) attributes {dimension_semantics = [#tpu.dimension_semantics<arbitrary>], iteration_bounds = array<i64: 7>, scalar_prefetch = 0 : i64, scratch_operands = 0 : i64, tpu.core_type = #tpu.core_type<tc>, window_params = [{transform_indices = @transform_0, window_bounds = array<i64: 256, 2048>}, {transform_indices = @transform_1, window_bounds = array<i64: 256, 1>}, {pipeline_mode = #tpu.pipeline_mode<synchronous>, transform_indices = @transform_2, window_bounds = array<i64: 1, 1>}]} {
    %get3A = arith.constant 0 : index
    %get3A_0 = arith.constant 0 : index
    %get3A_1 = vector.load %arg1[%get3A, %get3A_0] : memref<256x2048xf32, #tpu.memory_space<vmem>>, vector<256x2048xf32>
    %get3A_2 = arith.constant 0 : index
    %get3A_3 = arith.constant 0 : index
    %get3A_4 = vector.load %arg2[%get3A_2, %get3A_3] : memref<256x1xf32, #tpu.memory_space<vmem>>, vector<256x1xf32>
    %reduce_sum3A = arith.constant dense<0.000000e+00> : vector<256xf32>
    %reduce_sum3A_5 = vector.multi_reduction <add>, %get3A_1, %reduce_sum3A [1] : vector<256x2048xf32> to vector<256xf32>
    %broadcast_in_dim3A = vector.shape_cast %reduce_sum3A_5 : vector<256xf32> to vector<256x1xf32>
    %div3A = arith.constant 2.048000e+03 : f32
    %div3A_6 = vector.broadcast %div3A : f32 to vector<256x1xf32>
    %div3A_7 = arith.divf %broadcast_in_dim3A, %div3A_6 : vector<256x1xf32>
    %sub3A = vector.broadcast %div3A_7 : vector<256x1xf32> to vector<256x2048xf32>
    %sub3A_8 = arith.subf %get3A_1, %sub3A : vector<256x2048xf32>
    %integer_pow3A = arith.mulf %sub3A_8, %sub3A_8 : vector<256x2048xf32>
    %reduce_sum3A_9 = arith.constant dense<0.000000e+00> : vector<256xf32>
    %reduce_sum3A_10 = vector.multi_reduction <add>, %integer_pow3A, %reduce_sum3A_9 [1] : vector<256x2048xf32> to vector<256xf32>
    %broadcast_in_dim3A_11 = vector.shape_cast %reduce_sum3A_10 : vector<256xf32> to vector<256x1xf32>
    %div3A_12 = arith.constant 2.047000e+03 : f32
    %div3A_13 = vector.broadcast %div3A_12 : f32 to vector<256x1xf32>
    %div3A_14 = arith.divf %broadcast_in_dim3A_11, %div3A_13 : vector<256x1xf32>
    %sqrt3A = math.sqrt %div3A_14 : vector<256x1xf32>
    %mul3A = arith.constant 2.000000e+00 : f32
    %mul3A_15 = vector.broadcast %mul3A : f32 to vector<256x1xf32>
    %mul3A_16 = arith.mulf %mul3A_15, %sqrt3A : vector<256x1xf32>
    %sub3A_17 = arith.subf %div3A_7, %mul3A_16 : vector<256x1xf32>
    %mul3A_18 = arith.constant 0.266666681 : f32
    %mul3A_19 = vector.broadcast %mul3A_18 : f32 to vector<256x1xf32>
    %mul3A_20 = arith.mulf %mul3A_19, %sqrt3A : vector<256x1xf32>
    %sub3A_21 = vector.broadcast %sub3A_17 : vector<256x1xf32> to vector<256x2048xf32>
    %sub3A_22 = arith.subf %get3A_1, %sub3A_21 : vector<256x2048xf32>
    %div3A_23 = vector.broadcast %mul3A_20 : vector<256x1xf32> to vector<256x2048xf32>
    %div3A_24 = arith.divf %sub3A_22, %div3A_23 : vector<256x2048xf32>
    %jit3A = arith.constant 0.000000e+00 : f32
    %jit3A_25 = arith.constant 1.400000e+01 : f32
    %max3A = vector.broadcast %jit3A : f32 to vector<256x2048xf32>
    %max3A_26 = arith.maximumf %max3A, %div3A_24 : vector<256x2048xf32>
    %min3A = vector.broadcast %jit3A_25 : f32 to vector<256x2048xf32>
    %min3A_27 = arith.minimumf %min3A, %max3A_26 : vector<256x2048xf32>
    %floor3A = math.floor %min3A_27 : vector<256x2048xf32>
    %sub3A_28 = arith.constant 7.000000e+00 : f32
    %sub3A_29 = vector.broadcast %sub3A_28 : f32 to vector<256x2048xf32>
    %sub3A_30 = arith.subf %floor3A, %sub3A_29 : vector<256x2048xf32>
    %mul3A_31 = vector.broadcast %get3A_4 : vector<256x1xf32> to vector<256x2048xf32>
    %mul3A_32 = arith.mulf %mul3A_31, %sub3A_30 : vector<256x2048xf32>
    %sub3A_33 = arith.subf %get3A_1, %mul3A_32 : vector<256x2048xf32>
    %abs3A = math.absf %sub3A_33 : vector<256x2048xf32>
    %reduce_sum3A_34 = vector.shape_cast %abs3A : vector<256x2048xf32> to vector<1x256x2048xf32>
    %reduce_sum3A_35 = arith.constant dense<0.000000e+00> : vector<1xf32>
    %reduce_sum3A_36 = vector.multi_reduction <add>, %reduce_sum3A_34, %reduce_sum3A_35 [1, 2] : vector<1x256x2048xf32> to vector<1xf32>
    %reduce_sum3A_37 = vector.shape_cast %reduce_sum3A_36 : vector<1xf32> to vector<1x1x1xf32>
    %reduce_sum3A_38 = vector.extract %reduce_sum3A_37[0, 0, 0] : f32 from vector<1x1x1xf32>
    %reshape3A = vector.broadcast %reduce_sum3A_38 : f32 to vector<1x1xf32>
    %eq3A = arith.constant 0 : i32
    %eq3A_39 = arith.cmpi eq, %arg0, %eq3A : i32
    %convert_element_type3A = arith.extui %eq3A_39 : i1 to i32
    %cond3A = arith.constant 0 : i32
    %cond3A_40 = arith.cmpi ne, %convert_element_type3A, %cond3A : i32
    scf.if %cond3A_40 {
      %broadcast_in_dim3A_46 = arith.constant 0.000000e+00 : f32
      %broadcast_in_dim3A_47 = vector.broadcast %broadcast_in_dim3A_46 : f32 to vector<1x1xf32>
      %swap3A_48 = arith.constant 0 : index
      %swap3A_49 = arith.constant 0 : index
      %swap3A_50 = vector.load %arg3[%swap3A_48, %swap3A_49] : memref<1x1xf32, #tpu.memory_space<vmem>>, vector<1x1xf32>
      tpu.vector_store %arg3[%swap3A_48, %swap3A_49], %broadcast_in_dim3A_47 {strides = array<i32>} : memref<1x1xf32, #tpu.memory_space<vmem>>, vector<1x1xf32>,
    } else {
    }
    %get3A_41 = arith.constant 0 : index
    %get3A_42 = arith.constant 0 : index
    %get3A_43 = vector.load %arg3[%get3A_41, %get3A_42] : memref<1x1xf32, #tpu.memory_space<vmem>>, vector<1x1xf32>
    %add3A = arith.addf %get3A_43, %reshape3A : vector<1x1xf32>
    %swap3A = arith.constant 0 : index
    %swap3A_44 = arith.constant 0 : index
    %swap3A_45 = vector.load %arg3[%swap3A, %swap3A_44] : memref<1x1xf32, #tpu.memory_space<vmem>>, vector<1x1xf32>
    tpu.vector_store %arg3[%swap3A, %swap3A_44], %add3A {strides = array<i32>} : memref<1x1xf32, #tpu.memory_space<vmem>>, vector<1x1xf32>,
    return
  }
  func.func @transform_0(%arg0: i32) -> (i32, i32) {
    %c0_i32 = arith.constant 0 : i32
    %c0_i32_0 = arith.constant 0 : i32
    return %arg0, %c0_i32 : i32, i32
  }
  func.func @transform_1(%arg0: i32) -> (i32, i32) {
    %c0_i32 = arith.constant 0 : i32
    %c0_i32_0 = arith.constant 0 : i32
    return %arg0, %c0_i32 : i32, i32
  }
  func.func @transform_2(%arg0: i32) -> (i32, i32) {
    %c0_i32 = arith.constant 0 : i32
    %c0_i32_0 = arith.constant 0 : i32
    %c0_i32_1 = arith.constant 0 : i32
    return %c0_i32, %c0_i32_0 : i32, i32
  }
}

</mosaic_0001>

<sc_bundles>
// kernel: kernel.4.cloned.1.call-start
scs
__scs_entry_jumppad:
0x0: {  	(pc) =	sbr.rel $0x88, $3  }
0x1: {  	(tag) =	ssettag $0x0;
	lr =	simm.s32 $0x1  }
0x2: {  	[smem:$0x3F9F] =	sst lr;
	_ =	strace $0xD0000000  }
0x3: {  	_ = 	snop  }
0x4: {  	_ = 	snop  }
0x5: {  	_ = 	snop  }
0x6: {  	_ = 	snop  }
0x7: {  	_ = 	snop  }
__scs_overlays_trampoline_lowered:
0x8: {  	[smem:$0x3FAE] =	sst s0  }
0x9: {  	[smem:$0x3FAF] =	sst s1  }
0xa: {  	[smem:$0x3FB0] =	sst s2  }
0xb: {  	[smem:$0x3FB1] =	sst s3  }
0xc: {  	[smem:$0x3FB2] =	sst s4  }
0xd: {  	[smem:$0x3FB3] =	sst s5  }
0xe: {  	[smem:$0x3FB4] =	sst s6  }
0xf: {  	[smem:$0x3FB5] =	sst s7  }
0x10: {  	[smem:$0x3FB6] =	sst s8  }
0x11: {  	[smem:$0x3FB7] =	sst s9;
	s0 =	simm.s32 @!p0 $0x0  }
0x12: {  	s1 =	sld [smem:$0x3F9D];
	s0 =	simm.s32 @p0 $0x1  }
0x13: {  	[smem:$0x3FB8] =	sst s0;
	s0 =	simm.s32 @!p1 $0x0  }
0x14: {  	s2 =	sld [smem:$0x3F9C];
	s0 =	simm.s32 @p1 $0x1  }
0x15: {  	[smem:$0x3FB9] =	sst s0;
	s0 =	simm.s32 @!p2 $0x0  }
0x16: {  	s3 =	sld [smem:$0x3FDB];
	s0 =	simm.s32 @p2 $0x1  }
0x17: {  	s4 =	simm.s32 $0x1BF5;
	[smem:$0x3FBB] =	sst s0  }
0x18: {  	s0 =	sld [smem:$0x3F9E];
	_ =	swait.ge [sflag:s4], $0x0  }
0x19: {  	s7 =	sld [smem:$0x3F9F]  }
0x1a: {  	s8 =	sadd.s32 $0xFFFFE003, lr  }
0x1b: {  	s9 =	sadd.s32 $0xFFFFFEF7, lr;
	s5 =	simm.s32 $0xFFFFFFFF;
	p2 =	slt.u32 s8, $0xFFFFF086  }
0x1c: {  	p1 =	slt.u32 s9, $0xF7A;
	s5 =	simm.s32 @!p2 $0x0  }
0x1d: {  	s5 =	simm.s32 @p1 $0x1;
	p0 =	seq.s32 s7, s2  }
0x1e: {  	s7 =	smul.u32 @!p0 $0xF7A, s2;
	p2 =	seq.s32 @!p0 s5, $0x0  }
0x1f: {  	s9 =	smul.u32 $0xF7A, s1;
	s8 =	simm.s32 @!p0 $0x1BF5;
	p2 =	por !p2, p0  }
0x20: {  	[sflag:s8] =	ssyncset.s32 @!p0 $0xFFFFF086;
	s6 =	sadd.s32 @!p0 s3, s7;
	s7 =	simm.s32 @!p0 $0x108  }
0x21: {  	s3 =	sadd.s32 s3, s9;
	s6 =	sadd.s32 @!p0 $0x88, s6;
	s7 =	simm.s32 @p2 $0x1082  }
0x22: {  	[simem:s7], [sflag:s8] =	dma.local @!p0 [hbm:s6], $0xF7A  }
0x23: {  	s9 =	sor.u32 $0xD0000000, s2;
	s6 =	simm.s32 $0x108;
	_ =	swait.ge @!p0 [sflag:s8], $0x0  }
0x24: {  	s3 =	sadd.s32 $0x88, s3;
	s6 =	simm.s32 @!p1 $0x1082;
	[sflag:s4] =	ssyncset.s32 $0xFFFFF086  }
0x25: {  	[simem:s6], [sflag:s4] =	dma.local [hbm:s3], $0xF7A  }
0x26: {  	[smem:$0x3F9F] =	sst s1;
	(tag) =	ssettag s2;
	_ =	strace s9  }
0x27: {  	s1 =	sld [smem:$0x3FAF]  }
0x28: {  	s2 =	sld [smem:$0x3FB0]  }
0x29: {  	s4 =	sld [smem:$0x3FB2]  }
0x2a: {  	p0 =	seq.s32 s5, $0x0;
	s5 =	sld [smem:$0x3FB3]  }
0x2b: {  	s6 =	sld [smem:$0x3FB4]  }
0x2c: {  	s7 =	sld [smem:$0x3FB5]  }
0x2d: {  	s3 =	simm.s32 $0x108;
	s8 =	sld [smem:$0x3FB6]  }
0x2e: {  	s3 =	simm.s32 @!p0 $0x1082;
	s9 =	sld [smem:$0x3FB7]  }
0x2f: {  	lr =	sadd.s32 s0, s3;
	s0 =	sld [smem:$0x3FAE]  }
0x30: {  	s3 =	sld [smem:$0x3FB1]  }
0x31: {  	[smem:$0x3FBA] =	sst s10  }
0x32: {  	s10 =	sld [smem:$0x3FB8];
	_ =	sdelay $0x3  }
0x33: {  	p0 =	seq.s32 s10, $0x1;
	s10 =	sld [smem:$0x3FBA];
	_ =	sdelay $0x3  }
0x34: {  	[smem:$0x3FBA] =	sst s10  }
0x35: {  	s10 =	sld [smem:$0x3FB9];
	_ =	sdelay $0x3  }
0x36: {  	p1 =	seq.s32 s10, $0x1;
	s10 =	sld [smem:$0x3FBA];
	_ =	sdelay $0x3  }
0x37: {  	[smem:$0x3FBA] =	sst s10  }
0x38: {  	s10 =	sld [smem:$0x3FBB]  }
0x39: {  	_ = 	snop;
	(pc) =	sbr.ind lr, $3  }
0x3a: {  	_ = 	snop  }
0x3b: {  	_ = 	snop  }
0x3c: {  	p2 =	seq.s32 s10, $0x1;
	s10 =	sld [smem:$0x3FBA]  }
0x3d: {  	_ =	shalt  }
0x3e: {  	_ =	shalt  }
0x3f: {  	_ =	shalt  }
0x40: {  	_ =	shalt  }
0x41: {  	_ =	shalt  }
0x42: {  	_ =	shalt  }
0x43: {  	_ =	shalt  }
0x44: {  	_ =	shalt  }
0x45: {  	_ =	shalt  }
0x46: {  	_ =	shalt  }
0x47: {  	_ =	shalt  }
0x48: {  	_ =	shalt  }
0x49: {  	_ =	shalt  }
0x4a: {  	_ =	shalt  }
0x4b: {  	_ =	shalt  }
0x4c: {  	_ =	shalt  }
0x4d: {  	_ =	shalt  }
0x4e: {  	_ =	shalt  }
0x4f: {  	_ =	shalt  }
0x50: {  	_ =	shalt  }
0x51: {  	_ =	shalt  }
0x52: {  	_ =	shalt  }
0x53: {  	_ =	shalt  }
0x54: {  	_ =	shalt  }
0x55: {  	_ =	shalt  }
0x56: {  	_ =	shalt  }
0x57: {  	_ =	shalt  }
0x58: {  	_ =	shalt  }
0x59: {  	_ =	shalt  }
0x5a: {  	_ =	shalt  }
0x5b: {  	_ =	shalt  }
0x5c: {  	_ =	shalt  }
0x5d: {  	_ =	shalt  }
0x5e: {  	_ =	shalt  }
0x5f: {  	_ =	shalt  }
0x60: {  	_ =	shalt  }
0x61: {  	_ =	shalt  }
0x62: {  	_ =	shalt  }
0x63: {  	_ =	shalt  }
0x64: {  	_ =	shalt  }
0x65: {  	_ =	shalt  }
0x66: {  	_ =	shalt  }
0x67: {  	_ =	shalt  }
0x68: {  	_ =	shalt  }
0x69: {  	_ =	shalt  }
0x6a: {  	_ =	shalt  }
0x6b: {  	_ =	shalt  }
0x6c: {  	_ =	shalt  }
0x6d: {  	_ =	shalt  }
0x6e: {  	_ =	shalt  }
0x6f: {  	_ =	shalt  }
0x70: {  	_ =	shalt  }
0x71: {  	_ =	shalt  }
0x72: {  	_ =	shalt  }
0x73: {  	_ =	shalt  }
0x74: {  	_ =	shalt  }
0x75: {  	_ =	shalt  }
0x76: {  	_ =	shalt  }
0x77: {  	_ =	shalt  }
0x78: {  	_ =	shalt  }
0x79: {  	_ =	shalt  }
0x7a: {  	_ =	shalt  }
0x7b: {  	_ =	shalt  }
0x7c: {  	_ =	shalt  }
0x7d: {  	_ =	shalt  }
0x7e: {  	_ =	shalt  }
0x7f: {  	_ =	shalt  }
0x80: {  	_ =	shalt  }
0x81: {  	_ =	shalt  }
0x82: {  	_ =	shalt  }
0x83: {  	_ =	shalt  }
0x84: {  	_ =	shalt  }
0x85: {  	_ =	shalt  }
0x86: {  	_ =	shalt  }
0x87: {  	_ =	shalt  }
.Lfunc_end0:
.L_simem_size_0:
called_computation_lowered:
.L_overlay_start_0:
0x88: {  	s2 =	sld [smem:$0x3FD9]  }
0x89: {  	s3 =	sld [smem:$0x3FFE];
	_ =	sdelay $0x1  }
0x8a: {  	s1 =	srdreg.scid  }
0x8b: {  	s0 =	sand.u32 $0x1, s1  }
0x8c: {  	s17 =	sshll.u32 s0, $0xA;
	s2 =	sadd.s32 s3, s2  }
0x8d: {  	s2 =	sadd.s32 s2, s17  }
0x8e: {  	[smem:$0x3FC6] =	sst s2  }
0x8f: {  	_ = 	snop  }
0x90: {  	s2 =	sld [smem:$0x3FC9]  }
0x91: {  	s18 =	sld [smem:$0x3FC8];
	(tm) =	ssettm $0x1  }
0x92: {  	s4 =	sld [smem:$0x3FFB];
	_ =	sdelay $0x3  }
0x93: {  	_ =	strace s4  }
0x94: {  	s4 =	sld [smem:$0x3FFC];
	_ =	sdelay $0x3  }
0x95: {  	_ =	strace s4  }
0x96: {  	s4 =	sld [smem:$0x3FFD];
	_ =	sdelay $0x3  }
0x97: {  	_ =	strace s4  }
0x98: {  	_ =	strace $0x8FFFFFFF  }
0x99: {  	s19 =	sld [smem:$0x3FDB];
	_ =	sdelay $0x1  }
0x9a: {  	s5 =	simm.s32 $_scs_section_size  }
0x9b: {  	s6 =	simm.s32 $_size__tile_overlayer_lowered;
	s7 =	simm.s32 $_tile_overlayer_lowered  }
0x9c: {  	s22 =	simm.s32 $0x1BFF;
	s21 =	sshll.u32 s7, $0x1;
	s4 =	sadd.s32 s5, s19  }
0x9d: {  	s8 =	simm.s32 $0x0;
	s20 =	sshll.u32 s6, $0x1;
	s6 =	sadd.s32 s21, s4  }
0x9e: {  	[timem:s8], [sflag:s22] =	dma.local [hbm:s6], s20  }
0x9f: {  	_ =	swait.ge [sflag:s22], s20  }
0xa0: {  	s5 =	ssub.s32 $0x0, s20;
	[sflag:s22] =	ssyncset.done $0x0  }
0xa1: {  	[sflag:s22] =	ssyncadd.s32 s5;
	_ =	sdelay $0x1  }
0xa2: {  	s23 =	simm.s32 $0x1B8B  }
0xa3: {  	_ =	swait.ge [sflag:s23], $0x1  }
0xa4: {  	[sflag:s23] =	ssyncset.done $0x0  }
0xa5: {  	s25 =	simm.s32 $0x1B8E;
	s24 =	sld [smem:$0x3FFE];
	[sflag:s23] =	ssyncadd.s32 $0xFFFFFFFF  }
0xa6: {  	s26 =	simm.s32 $execute0_lowered;
	[smem:$0x3FD2] =	sst s25  }
0xa7: {  	s6 =	sshll.u32 s26, $0x1;
	_ =	strace $0x80000046;
	[dreg:$0x1] =	wrdreg $0xFFFFFFFF  }
0xa8: {  	s28 =	simm.s32 $_size_execute0_lowered;
	s4 =	sadd.s32 s4, s6;
	[dreg:$0x0] =	wrdreg $0x0  }
0xa9: {  	s6 =	sshll.u32 s28, $0x1;
	[dreg:$0x2] =	wrdreg s4  }
0xaa: {  	[dreg:$0x3] =	wrdreg s6  }
0xab: {  	[dreg:$0x4] =	wrdreg $0xC0  }
0xac: {  	_ =	task [dreg:s8], $0x5FFFF  }
0xad: {  	[dreg:$0x1] =	wrdreg $0xFFFFFFFF  }
0xae: {  	[dreg:$0x0] =	wrdreg $0x60  }
0xaf: {  	[dreg:$0x2] =	wrdreg s2  }
0xb0: {  	[dreg:$0x3] =	wrdreg s18  }
0xb1: {  	[dreg:$0x4] =	wrdreg s24  }
0xb2: {  	[dreg:$0x5] =	wrdreg $0x9  }
0xb3: {  	_ =	task.clear_ibuf [dreg:s8], $0x6FFFF;
	_ =	strace $0x90000046  }
0xb4: {  	s29 =	simm.s32 $0x9;
	_ =	strace $0x80000048  }
0xb5: {  	_ =	swait.ge [sflag:s29], $0x1  }
0xb6: {  	[sflag:s29] =	ssyncadd.s32 $0xFFFFFFFF  }
0xb7: {  	_ =	strace $0x90000048  }
0xb8: {  	_ =	sfence  }
0xb9: {  	s30 =	sld [smem:$0x0];
	_ =	sdelay $0x2  }
0xba: {  	s31 =	sshll.u32 s1, $0xD;
	s1 =	sshrl.u32 s1, $0x2  }
0xbb: {  	s3 =	sand.u32 $0x4000, s31;
	s1 =	sadd.s32 s1, s30  }
0xbc: {  	s0 =	sor.u32 s3, s0;
	s1 =	sshll.u32 s1, $0x11  }
0xbd: {  	s0 =	sor.u32 s1, s0  }
0xbe: {  	s0 =	sadd.s32 $0x8F2B, s0  }
0xbf: {  	[sflag:s0] =	ssyncadd.remote.s32 $0x1  }
0xc0: {  	_ =	sfence.sel $0xFFFF  }
0xc1: {  	[dreg:$0x0] =	wrdreg $0xFFFFFFFF;
	(pc) =	sbr.abs _section_cstart, $3  }
0xc2: {  	[dreg:$0x1] =	wrdreg $0xFFFFFFFF  }
0xc3: {  	_ =	task.clear_ibuf [dreg:s8], $0x2FFFF;
	_ =	strace $0x9FFFFFFF  }
0xc4: {  	(tm) =	ssettm $0x7FFFFFFF  }
0xc5: {  	_ =	shalt  }
tec
execute0_lowered:
.L_overlay_start_1:
0x0: {  	(tag) =	ssettag $0x1  }
0x1: {  	s3 =	rddreg [dreg:$0x0]  }
0x2: {  	s5 =	rddreg [dreg:$0x1]  }
0x3: {  	s4 =	rddreg [dreg:$0x2]  }
0x4: {  	s0 =	rddreg [dreg:$0x3]  }
0x5: {  	s6 =	srdreg.scid;
	s1 =	stileid.u32;
	s2 =	simm.s32 $0x0  }
0x6: {  	s10 =	simm.s32 $0x2000;
	s11 =	simm.s32 $0x4000;
	s12 =	simm.s32 $0x3  }
0x7: {  	s13 =	simm.s32 $0x1;
	s14 =	simm.s32 $0x2;
	s15 =	simm.s32 $0x4080  }
0x8: {  	s6 =	sand.u32 $0x1, s6;
	s7 =	sshll.u32 s1, $0x1;
	[smem:$0x7FF] =	sst s2  }
0x9: {  	s16 =	simm.s32 $0x0;
	s7 =	sor.u32 s6, s7;
	_ =	strace $0x80000047  }
0xa: {  	s29 =	ssub.s32 $0x2, s6;
	s8 =	sshll.u32 s7, $0x4;
	s30 =	sshll.u32 s7, $0x3  }
0xb: {  	s9 =	sshrl.u32 s29, $0x1;
	s7 =	sshll.u32 s7, $0xB;
	s8 =	sadd.s32 s8, s4  }
0xc: {  	s6 =	sor.u32 $0x700, s30;
	s9 =	ssub.s32 s29, s9;
	s7 =	sadd.s32 s7, s3  }
0xd: {  	s31 =	sshll.u32 s6, $0x8;
	s4 =	sadd.s32 $0x70040, s7;
	s6 =	sshrl.u32 s6, $0x3  }
0xe: {  	s7 =	smax.u32 s9, $0x1;
	s9 =	simm.s32 $0x400;
	s3 =	sadd.s32 s3, s31  }
0xf: {  	s5 =	sadd.s32 s5, s6;
	s6 =	sadd.s32 $0x400, s8;
	s8 =	simm.s32 $0x200  }
.LBB2_1:
0x10: {  	[tilespmem:s2], [sflag:$0x1] =	stream.strided.gather [hbm4b:s3+s8], $0x2000, s9, s8, $0x38;
	[tilespmem:$0x4100] =	vst v63  }
0x11: {  	_ = 	snop  }
0x12: {  	[tilespmem:s10], [sflag:$0x2] =	stream.strided.gather [hbm4b:s4+s8], $0x2000, s9, s8, $0x38;
	[tilespmem:$0x4100] =	vst v63  }
0x13: {  	_ = 	snop  }
0x14: {  	[tilespmem:s11], [sflag:$0x3] =	stream.linear.gather [hbm4b:s5+s2], $0x8, $0x38;
	[tilespmem:$0x4100] =	vst v63  }
0x15: {  	_ =	swait.ge [sflag:s12], $0x8  }
0x16: {  	[sflag:s12] =	ssyncset.done $0x0  }
0x17: {  	[sflag:s12] =	ssyncadd.s32 $0xFFFFFFF8  }
0x18: {  	_ =	swait.ge [sflag:s13], $0x2000  }
0x19: {  	[sflag:s13] =	ssyncset.done $0x0  }
0x1a: {  	v0 =	vimm.f32 $0.0e+00;
	s17 =	simm.s32 $0x40;
	v1 =	vimm.f32 $0.0e+00;
	s18 =	simm.s32 $0x0;
	[sflag:s13] =	ssyncadd.s32 $0xFFFFE000  }
.LBB2_2:
0x1b: {  	v2 =	vmov s17;
	_ =	sdelay $0x3  }
0x1c: {  	s19 =	simm.s32 $0x0  }
0x1d: {  	v3 =	vld.idx.msk [tilespmem:v2+s19+$0xFFFFFFC0 ss:$0x1], $0xffff;
	_ =	sdelay $0x1  }
0x1e: {  	v5 =	vld.idx.msk [tilespmem:v2+s19+$0xFFFFFFD0 ss:$0x1], $0xffff;
	_ =	sdelay $0x1  }
0x1f: {  	v6 =	vld.idx.msk [tilespmem:v2+s19+$0xFFFFFFE0 ss:$0x1], $0xffff  }
0x20: {  	v4 =	vmul.f32 v3, v3  }
0x21: {  	v7 =	vld.idx.msk [tilespmem:v2+s19+$0xFFFFFFF0 ss:$0x1], $0xffff  }
0x22: {  	v3 =	vadd.f32 v3, v0;
	v9 =	vmul.f32 v5, v5;
	v8 =	vadd.f32 v4, v0  }
0x23: {  	v4 =	vld.idx.msk [tilespmem:v2+s19+$0x0 ss:$0x1], $0xffff  }
0x24: {  	v3 =	vadd.f32 v5, v3;
	v8 =	vadd.f32 v9, v8;
	v9 =	vmul.f32 v6, v6  }
0x25: {  	v5 =	vld.idx.msk [tilespmem:v2+s19+$0x10 ss:$0x1], $0xffff  }
0x26: {  	v10 =	vmul.f32 v7, v7;
	v3 =	vadd.f32 v6, v3;
	v9 =	vadd.f32 v9, v8  }
0x27: {  	v6 =	vld.idx.msk [tilespmem:v2+s19+$0x20 ss:$0x1], $0xffff  }
0x28: {  	v8 =	vadd.f32 v7, v3;
	v7 =	vadd.f32 v10, v9;
	v9 =	vmul.f32 v4, v4  }
0x29: {  	s20 =	simm.s32 $0x1000;
	v3 =	vld.idx.msk [tilespmem:v2+s19+$0x30 ss:$0x1], $0xffff;
	s19 =	simm.s32 $0x200  }
.LBB2_3:
0x2a: {  	p0 =	sne.s32 s20, $0x7800;
	v10 =	vld.idx.msk [tilespmem:v2+s19+$0xFFFFFFC0 ss:$0x1], $0xffff;
	v4 =	vadd.f32 v4, v8;
	v7 =	vadd.f32 v9, v7;
	v8 =	vmul.f32 v5, v5;
	_ =	sdelay $0x1  }
0x2b: {  	v9 =	vld.idx.msk [tilespmem:v2+s19+$0xFFFFFFD0 ss:$0x1], $0xffff;
	v4 =	vadd.f32 v5, v4;
	v5 =	vadd.f32 v8, v7;
	v7 =	vmul.f32 v6, v6;
	_ =	sdelay $0x1  }
0x2c: {  	v8 =	vld.idx.msk [tilespmem:v2+s19+$0xFFFFFFE0 ss:$0x1], $0xffff;
	v4 =	vadd.f32 v6, v4;
	v5 =	vadd.f32 v7, v5;
	v6 =	vmul.f32 v3, v3;
	_ =	sdelay $0x1  }
0x2d: {  	v7 =	vmul.f32 v10, v10;
	v11 =	vld.idx.msk [tilespmem:v2+s19+$0xFFFFFFF0 ss:$0x1], $0xffff;
	v3 =	vadd.f32 v3, v4;
	v4 =	vadd.f32 v6, v5;
	_ =	sdelay $0x1  }
0x2e: {  	v6 =	vmul.f32 v9, v9;
	v3 =	vadd.f32 v10, v3;
	v5 =	vadd.f32 v7, v4;
	v4 =	vld.idx.msk [tilespmem:v2+s19+$0x0 ss:$0x1], $0xffff;
	_ =	sdelay $0x1  }
0x2f: {  	v7 =	vmul.f32 v8, v8;
	v3 =	vadd.f32 v9, v3;
	v6 =	vadd.f32 v6, v5;
	v5 =	vld.idx.msk [tilespmem:v2+s19+$0x10 ss:$0x1], $0xffff  }
.Ltmp0:
0x30: {  	(pc) =	sbr.rel @p0 .LBB2_3-.Ltmp0, $3  }
0x31: {  	v9 =	vmul.f32 v11, v11;
	v3 =	vadd.f32 v8, v3;
	v7 =	vadd.f32 v7, v6;
	v6 =	vld.idx.msk [tilespmem:v2+s19+$0x20 ss:$0x1], $0xffff;
	_ =	sdelay $0x1  }
0x32: {  	v8 =	vadd.f32 v11, v3;
	v7 =	vadd.f32 v9, v7;
	v9 =	vmul.f32 v4, v4;
	v3 =	vld.idx.msk [tilespmem:v2+s19+$0x30 ss:$0x1], $0xffff  }
0x33: {  	s19 =	sshra.s32 s20, $0x2;
	s20 =	sadd.s32 $0x800, s20  }
0x34: {  	_ = 	snop  }
0x35: {  	v4 =	vadd.f32 v4, v8;
	_ =	sdelay $0x1  }
0x36: {  	v4 =	vadd.f32 v5, v4  }
0x37: {  	v8 =	vld.idx.msk [tilespmem:v2+s19+$0xFFFFFFC0 ss:$0x1], $0xffff  }
0x38: {  	v7 =	vadd.f32 v9, v7;
	v5 =	vmul.f32 v5, v5;
	v4 =	vadd.f32 v6, v4  }
0x39: {  	v9 =	vld.idx.msk [tilespmem:v2+s19+$0xFFFFFFD0 ss:$0x1], $0xffff  }
0x3a: {  	v5 =	vadd.f32 v5, v7;
	v6 =	vmul.f32 v6, v6;
	v4 =	vadd.f32 v3, v4  }
0x3b: {  	v7 =	vld.idx.msk [tilespmem:v2+s19+$0xFFFFFFE0 ss:$0x1], $0xffff  }
0x3c: {  	v5 =	vadd.f32 v6, v5;
	v3 =	vmul.f32 v3, v3;
	v4 =	vadd.f32 v8, v4  }
0x3d: {  	v6 =	vld.idx.msk [tilespmem:v2+s19+$0xFFFFFFF0 ss:$0x1], $0xffff  }
0x3e: {  	v8 =	vmul.f32 v8, v8;
	v3 =	vadd.f32 v3, v5;
	v4 =	vadd.f32 v9, v4  }
0x3f: {  	v5 =	vld.idx.msk [tilespmem:v2+s19+$0x0 ss:$0x1], $0xffff  }
0x40: {  	v3 =	vadd.f32 v8, v3;
	v8 =	vmul.f32 v9, v9;
	v4 =	vadd.f32 v7, v4  }
0x41: {  	v9 =	vld.idx.msk [tilespmem:v2+s19+$0x10 ss:$0x1], $0xffff  }
0x42: {  	v3 =	vadd.f32 v8, v3;
	v7 =	vmul.f32 v7, v7;
	v4 =	vadd.f32 v6, v4  }
0x43: {  	v8 =	vld.idx.msk [tilespmem:v2+s19+$0x20 ss:$0x1], $0xffff  }
0x44: {  	v3 =	vadd.f32 v7, v3;
	v6 =	vmul.f32 v6, v6;
	v4 =	vadd.f32 v5, v4  }
0x45: {  	v7 =	vld.idx.msk [tilespmem:v2+s19+$0x30 ss:$0x1], $0xffff  }
0x46: {  	v3 =	vadd.f32 v6, v3;
	v5 =	vmul.f32 v5, v5;
	v4 =	vadd.f32 v9, v4;
	_ =	sdelay $0x1  }
0x47: {  	v3 =	vadd.f32 v5, v3;
	v5 =	vmul.f32 v9, v9;
	v4 =	vadd.f32 v8, v4;
	_ =	sdelay $0x1  }
0x48: {  	v3 =	vadd.f32 v5, v3;
	v5 =	vmul.f32 v8, v8;
	v4 =	vadd.f32 v7, v4;
	_ =	sdelay $0x1  }
0x49: {  	v3 =	vadd.f32 v5, v3;
	v5 =	vmul.f32 v7, v7;
	(xrf2) =	vadd.scan.msk.f32 $0xffff, v4;
	_ =	sdelay $0x1  }
0x4a: {  	v3 =	vadd.f32 v5, v3;
	_ =	sdelay $0x1  }
0x4b: {  	(xrf2) =	vadd.scan.msk.f32 $0xffff, v3;
	_ =	sdelay $0x5  }
0x4c: {  	v3, _, _ =	vpop (xrf2)  }
0x4d: {  	(v2sf) =	vpush v3, $0xF;
	_ =	sdelay $0x2  }
0x4e: {  	v3, _, _ =	vpop (xrf2)  }
0x4f: {  	(v2sf) =	vpush v3, $0xF;
	_ =	sdelay $0xa  }
0x50: {  	s28 =	spop (v2sf)  }
0x51: {  	s20 =	smul.f32 $4.882812500e-04, s28;
	_ =	sdelay $0x1  }
0x52: {  	s19 =	smul.f32 s20, s28  }
0x53: {  	s21 =	spop (v2sf)  }
0x54: {  	s19 =	ssub.f32 s21, s19;
	_ =	sdelay $0x1  }
0x55: {  	s19 =	smul.f32 $4.885197850e-04, s19;
	_ =	sdelay $0x1  }
0x56: {  	v3 =	vmov s19  }
0x57: {  	v4 =	vshra.s32 v3, $0x1;
	v3 =	vmul.f32 $5.000000000e-01, v3  }
0x58: {  	v4 =	vsub.s32 $0x5F3759DF, v4  }
0x59: {  	v5 =	vmul.f32 v4, v3;
	_ =	sdelay $0x1  }
0x5a: {  	v5 =	vmul.f32 v4, v5;
	_ =	sdelay $0x1  }
0x5b: {  	v5 =	vsub.f32 $1.500000000e+00, v5;
	_ =	sdelay $0x1  }
0x5c: {  	v4 =	vmul.f32 v4, v5;
	_ =	sdelay $0x1  }
0x5d: {  	v5 =	vmul.f32 v4, v3;
	_ =	sdelay $0x1  }
0x5e: {  	v5 =	vmul.f32 v5, v4;
	_ =	sdelay $0x1  }
0x5f: {  	v5 =	vsub.f32 $1.500000000e+00, v5;
	_ =	sdelay $0x1  }
0x60: {  	v4 =	vmul.f32 v5, v4;
	_ =	sdelay $0x1  }
0x61: {  	v5 =	vmul.f32 v4, v3;
	_ =	sdelay $0x1  }
0x62: {  	v5 =	vmul.f32 v5, v4;
	_ =	sdelay $0x1  }
0x63: {  	v5 =	vsub.f32 $1.500000000e+00, v5;
	_ =	sdelay $0x1  }
0x64: {  	v4 =	vmul.f32 v5, v4;
	_ =	sdelay $0x1  }
0x65: {  	v3 =	vmul.f32 v4, v3;
	_ =	sdelay $0x1  }
0x66: {  	s29 =	simm.s32 $0x0;
	v3 =	vmul.f32 v3, v4  }
0x67: {  	v14 =	vld.idx.msk [tilespmem:v2+s29+$0x20 ss:$0x1], $0xffff  }
0x68: {  	v16 =	vld.idx.msk [tilespmem:v2+s29+$0xFFFFFFF0 ss:$0x1], $0xffff;
	v3 =	vsub.f32 $1.500000000e+00, v3  }
0x69: {  	v17 =	vld.idx.msk [tilespmem:v2+s29+$0x0 ss:$0x1], $0xffff  }
0x6a: {  	v7 =	vld [tilespmem:s18+$0x4000];
	v3 =	vmul.f32 v3, v4  }
0x6b: {  	v19 =	vld.idx.msk [tilespmem:v2+s29+$0xFFFFFFE0 ss:$0x1], $0xffff  }
0x6c: {  	v8 =	vld.idx.msk [tilespmem:v2+s29+$0xFFFFFFD0 ss:$0x1], $0xffff;
	v5 =	vmul.f32 $3.750000000e+00, v3  }
0x6d: {  	v9 =	vld.idx.msk [tilespmem:v2+s29+$0xFFFFFFC0 ss:$0x1], $0xffff  }
0x6e: {  	v10 =	vld.idx.msk [tilespmem:v2+s29+$0x10 ss:$0x1], $0xffff;
	v3 =	vmul.f32 s20, v5  }
0x6f: {  	v15 =	vld.idx.msk [tilespmem:v2+s29+$0x30 ss:$0x1], $0xffff;
	(v2sf) =	vpush v7, $0x0;
	v4 =	vbroadcast v7, $0x0  }
0x70: {  	v7 =	vmul.f32 v14, v5;
	v12 =	vmul.f32 v16, v5;
	v6 =	vsub.f32 $7.500000000e+00, v3  }
0x71: {  	v13 =	vmul.f32 v8, v5;
	v18 =	vmul.f32 v17, v5  }
0x72: {  	v20 =	vmul.f32 v9, v5;
	v21 =	vmul.f32 v19, v5;
	v7 =	vadd.f32 v7, v6  }
0x73: {  	v22 =	vmul.f32 v10, v5;
	v12 =	vadd.f32 v12, v6;
	v13 =	vadd.f32 v13, v6  }
0x74: {  	v11 =	vmul.f32 v15, v5;
	v18 =	vadd.f32 v18, v6;
	v20 =	vadd.f32 v20, v6  }
0x75: {  	v21 =	vadd.f32 v21, v6;
	v22 =	vadd.f32 v22, v6;
	v13 =	vmax.f32 v13, $0.0e+00  }
0x76: {  	v7 =	vmax.f32 v7, $0.0e+00;
	v12 =	vmax.f32 v12, $0.0e+00;
	v20 =	vmax.f32 v20, $0.0e+00  }
0x77: {  	v21 =	vmax.f32 v21, $0.0e+00;
	v22 =	vmax.f32 v22, $0.0e+00;
	v18 =	vmax.f32 v18, $0.0e+00  }
0x78: {  	v13 =	vmin.f32 v13, $1.400000000e+01;
	v20 =	vmin.f32 v20, $1.400000000e+01;
	v21 =	vmin.f32 v21, $1.400000000e+01  }
0x79: {  	v22 =	vmin.f32 v22, $1.400000000e+01;
	v12 =	vmin.f32 v12, $1.400000000e+01;
	v13 =	vtrunc.f32 v13  }
0x7a: {  	s31 =	simm.s32 $0x200;
	v7 =	vmin.f32 v7, $1.400000000e+01;
	v20 =	vtrunc.f32 v20;
	v21 =	vtrunc.f32 v21  }
0x7b: {  	v25 =	vld.idx.msk [tilespmem:v2+s31+$0xFFFFFFD0 ss:$0x1], $0xffff;
	v18 =	vmin.f32 v18, $1.400000000e+01;
	v22 =	vtrunc.f32 v22;
	v7 =	vtrunc.f32 v7  }
0x7c: {  	v12 =	vtrunc.f32 v12;
	v18 =	vtrunc.f32 v18  }
0x7d: {  	v13 =	vcvt.f32.s32 v13;
	v20 =	vcvt.f32.s32 v20  }
0x7e: {  	s30 =	spop (v2sf);
	v21 =	vcvt.f32.s32 v21;
	v22 =	vcvt.f32.s32 v22  }
0x7f: {  	s20 =	smul.f32 $7.000000000e+00, s30;
	v12 =	vcvt.f32.s32 v12;
	v30 =	vcvt.f32.s32 v18  }
0x80: {  	v11 =	vadd.f32 v11, v6;
	v18 =	vmul.f32 v25, v5;
	v13 =	vcvt.s32.f32 v13  }
0x81: {  	v3 =	vmov s20;
	v21 =	vcvt.s32.f32 v21;
	v12 =	vcvt.s32.f32 v12  }
0x82: {  	v11 =	vmax.f32 v11, $0.0e+00;
	v20 =	vcvt.s32.f32 v20;
	v13 =	vmul.f32 v13, v4  }
0x83: {  	v11 =	vmin.f32 v11, $1.400000000e+01;
	v21 =	vmul.f32 v21, v4;
	v12 =	vmul.f32 v12, v4  }
0x84: {  	v22 =	vcvt.s32.f32 v22;
	v20 =	vmul.f32 v20, v4;
	v13 =	vsub.f32 v13, v3  }
0x85: {  	v54 =	vcvt.s32.f32 v30;
	v21 =	vsub.f32 v21, v3;
	v26 =	vsub.f32 v12, v3;
	v12 =	vld.idx.msk [tilespmem:v2+s31+$0xFFFFFFC0 ss:$0x1], $0xffff  }
0x86: {  	v20 =	vsub.f32 v20, v3;
	v8 =	vsub.f32 v8, v13;
	v13 =	vmul.f32 v22, v4  }
0x87: {  	v18 =	vadd.f32 v18, v6;
	v19 =	vsub.f32 v19, v21;
	v21 =	vmul.f32 v54, v4  }
0x88: {  	v22 =	vcvt.f32.s32 v7;
	v20 =	vsub.f32 v9, v20;
	v9 =	vld.idx.msk [tilespmem:v2+s31+$0xFFFFFFF0 ss:$0x1], $0xffff;
	v13 =	vsub.f32 v13, v3  }
0x89: {  	v7 =	vld.idx.msk [tilespmem:v2+s31+$0x30 ss:$0x1], $0xffff;
	v26 =	vsub.f32 v16, v26;
	v23 =	vand.u32 $0x7FFFFFFF, v8;
	v21 =	vsub.f32 v21, v3  }
0x8a: {  	v8 =	vld.idx.msk [tilespmem:v2+s31+$0x20 ss:$0x1], $0xffff;
	v19 =	vand.u32 $0x7FFFFFFF, v19;
	v32 =	vmul.f32 v12, v5;
	v24 =	vsub.f32 v10, v13  }
0x8b: {  	v13 =	vcvt.s32.f32 v22;
	v10 =	vtrunc.f32 v11;
	v11 =	vand.u32 $0x7FFFFFFF, v20  }
0x8c: {  	v17 =	vsub.f32 v17, v21;
	v20 =	vcvt.f32.s32 v10;
	v22 =	vadd.f32 v11, v1  }
0x8d: {  	v10 =	vld.idx.msk [tilespmem:v2+s31+$0x0 ss:$0x1], $0xffff;
	v29 =	vmul.f32 v9, v5;
	v32 =	vadd.f32 v32, v6;
	v11 =	vmul.f32 v13, v4  }
0x8e: {  	v1 =	vld.idx.msk [tilespmem:v2+s31+$0x10 ss:$0x1], $0xffff;
	v13 =	vmul.f32 v7, v5;
	v17 =	vand.u32 $0x7FFFFFFF, v17;
	v20 =	vcvt.s32.f32 v20  }
0x8f: {  	v27 =	vmul.f32 v8, v5;
	v52 =	vadd.f32 v29, v6;
	v55 =	vmax.f32 v32, $0.0e+00  }
0x90: {  	v22 =	vadd.f32 v23, v22;
	v28 =	vsub.f32 v11, v3;
	v58 =	vmin.f32 v55, $1.400000000e+01  }
0x91: {  	v11 =	vld.idx.msk [tilespmem:v2+s31+$0xFFFFFFE0 ss:$0x1], $0xffff;
	v27 =	vadd.f32 v27, v6;
	v20 =	vmul.f32 v20, v4;
	v23 =	vtrunc.f32 v58  }
0x92: {  	v19 =	vadd.f32 v19, v22;
	v14 =	vsub.f32 v14, v28;
	v53 =	vmul.f32 v10, v5  }
0x93: {  	v31 =	vmul.f32 v1, v5;
	v28 =	vmax.f32 v52, $0.0e+00;
	v22 =	vcvt.f32.s32 v23  }
0x94: {  	v23 =	vand.u32 $0x7FFFFFFF, v26;
	v27 =	vmax.f32 v27, $0.0e+00;
	v20 =	vsub.f32 v20, v3  }
0x95: {  	v29 =	vadd.f32 v53, v6;
	v16 =	vand.u32 $0x7FFFFFFF, v14;
	v14 =	vmax.f32 v18, $0.0e+00  }
0x96: {  	v59 =	vadd.f32 v31, v6;
	v61 =	vmin.f32 v27, $1.400000000e+01;
	v18 =	vmul.f32 v11, v5  }
0x97: {  	v62 =	vcvt.s32.f32 v22;
	v56 =	vmin.f32 v14, $1.400000000e+01;
	v20 =	vsub.f32 v15, v20  }
0x98: {  	v26 =	vtrunc.f32 v61;
	v60 =	vtrunc.f32 v56;
	v33 =	vadd.f32 v18, v6  }
0x99: {  	v29 =	vmax.f32 v29, $0.0e+00;
	v18 =	vmin.f32 v28, $1.400000000e+01;
	v21 =	vcvt.f32.s32 v60  }
0x9a: {  	v14 =	vmin.f32 v29, $1.400000000e+01;
	v28 =	vmax.f32 v59, $0.0e+00;
	v57 =	vmax.f32 v33, $0.0e+00  }
0x9b: {  	v28 =	vmin.f32 v28, $1.400000000e+01;
	v15 =	vcvt.s32.f32 v21;
	v29 =	vmin.f32 v57, $1.400000000e+01  }
0x9c: {  	v19 =	vadd.f32 v23, v19;
	v23 =	vtrunc.f32 v28;
	v29 =	vtrunc.f32 v29  }
0x9d: {  	v13 =	vadd.f32 v13, v6;
	v15 =	vmul.f32 v15, v4;
	v21 =	vcvt.f32.s32 v29  }
0x9e: {  	v17 =	vadd.f32 v17, v19;
	v22 =	vcvt.f32.s32 v23;
	v23 =	vmul.f32 v62, v4  }
0x9f: {  	v63 =	vsub.f32 v15, v3;
	v19 =	vcvt.s32.f32 v21;
	v21 =	vand.u32 $0x7FFFFFFF, v24  }
0xa0: {  	v22 =	vcvt.s32.f32 v22;
	v21 =	vadd.f32 v21, v17;
	v17 =	vcvt.f32.s32 v26  }
0xa1: {  	s19 =	simm.s32 $0x1000;
	v15 =	vmul.f32 v19, v4;
	v19 =	vand.u32 $0x7FFFFFFF, v20;
	v20 =	vsub.f32 v25, v63  }
.LBB2_5:
0xa2: {  	s20 =	sshra.s32 s19, $0x2;
	p0 =	sne.s32 s19, $0x7800;
	s19 =	sadd.s32 $0x800, s19;
	v18 =	vtrunc.f32 v18;
	v22 =	vmul.f32 v22, v4;
	v16 =	vadd.f32 v16, v21  }
0xa3: {  	v21 =	vld.idx.msk [tilespmem:v2+s20+$0x30 ss:$0x1], $0xffff;
	v23 =	vsub.f32 v23, v3;
	v20 =	vand.u32 $0x7FFFFFFF, v20;
	v18 =	vcvt.f32.s32 v18  }
0xa4: {  	v13 =	vmax.f32 v13, $0.0e+00;
	v24 =	vld.idx.msk [tilespmem:v2+s20+$0x20 ss:$0x1], $0xffff;
	v22 =	vsub.f32 v22, v3;
	v16 =	vadd.f32 v19, v16  }
0xa5: {  	v13 =	vmin.f32 v13, $1.400000000e+01;
	v19 =	vld.idx.msk [tilespmem:v2+s20+$0xFFFFFFF0 ss:$0x1], $0xffff;
	v12 =	vsub.f32 v12, v23;
	v18 =	vcvt.s32.f32 v18  }
0xa6: {  	v17 =	vcvt.s32.f32 v17;
	v25 =	vld.idx.msk [tilespmem:v2+s20+$0xFFFFFFD0 ss:$0x1], $0xffff;
	v22 =	vsub.f32 v1, v22;
	v1 =	vtrunc.f32 v13  }
0xa7: {  	v23 =	vld.idx.msk [tilespmem:v2+s20+$0x0 ss:$0x1], $0xffff;
	v12 =	vand.u32 $0x7FFFFFFF, v12;
	v13 =	vmul.f32 v18, v4;
	v18 =	vcvt.f32.s32 v1  }
0xa8: {  	v15 =	vsub.f32 v15, v3;
	v1 =	vld.idx.msk [tilespmem:v2+s20+$0x10 ss:$0x1], $0xffff;
	v26 =	vadd.f32 v12, v16;
	v16 =	vmul.f32 v17, v4  }
0xa9: {  	v17 =	vmul.f32 v21, v5;
	v12 =	vld.idx.msk [tilespmem:v2+s20+$0xFFFFFFC0 ss:$0x1], $0xffff;
	v27 =	vsub.f32 v13, v3;
	v18 =	vcvt.s32.f32 v18  }
0xaa: {  	v14 =	vtrunc.f32 v14;
	v29 =	vmul.f32 v24, v5;
	v28 =	vld.idx.msk [tilespmem:v2+s20+$0xFFFFFFE0 ss:$0x1], $0xffff;
	v16 =	vsub.f32 v16, v3  }
0xab: {  	v14 =	vcvt.f32.s32 v14;
	v30 =	vmul.f32 v19, v5;
	v13 =	vadd.f32 v17, v6  }
0xac: {  	v17 =	vmul.f32 v25, v5;
	v29 =	vadd.f32 v29, v6;
	v16 =	vsub.f32 v8, v16;
	v8 =	vmovc v24  }
0xad: {  	v31 =	vmul.f32 v18, v4;
	v24 =	vadd.f32 v30, v6;
	v30 =	vmul.f32 v23, v5  }
0xae: {  	v27 =	vsub.f32 v9, v27;
	v9 =	vmovc v19;
	v17 =	vadd.f32 v17, v6;
	v32 =	vmul.f32 v1, v5  }
0xaf: {  	v18 =	vmul.f32 v12, v5;
	v19 =	vadd.f32 v30, v6;
	v16 =	vand.u32 $0x7FFFFFFF, v16  }
0xb0: {  	v29 =	vmax.f32 v29, $0.0e+00;
	v17 =	vmax.f32 v17, $0.0e+00;
	v30 =	vmul.f32 v28, v5  }
0xb1: {  	v33 =	vadd.f32 v18, v6;
	v18 =	vmax.f32 v24, $0.0e+00;
	v19 =	vmax.f32 v19, $0.0e+00  }
0xb2: {  	v24 =	vadd.f32 v30, v6;
	v18 =	vmin.f32 v18, $1.400000000e+01;
	v30 =	vcvt.s32.f32 v14  }
0xb3: {  	v17 =	vmin.f32 v17, $1.400000000e+01;
	v14 =	vmin.f32 v19, $1.400000000e+01;
	v33 =	vmax.f32 v33, $0.0e+00  }
0xb4: {  	v15 =	vsub.f32 v11, v15;
	v11 =	vmovc v28;
	v19 =	vmax.f32 v24, $0.0e+00;
	v24 =	vmul.f32 v30, v4  }
0xb5: {  	v20 =	vadd.f32 v20, v26;
	v28 =	vmin.f32 v33, $1.400000000e+01;
	v19 =	vmin.f32 v19, $1.400000000e+01  }
0xb6: {  	v26 =	vtrunc.f32 v28;
	v28 =	vadd.f32 v32, v6;
	v24 =	vsub.f32 v24, v3  }
0xb7: {  	v15 =	vand.u32 $0x7FFFFFFF, v15;
	v17 =	vtrunc.f32 v17;
	v19 =	vtrunc.f32 v19  }
0xb8: {  	v30 =	vsub.f32 v31, v3;
	v28 =	vmax.f32 v28, $0.0e+00;
	v24 =	vsub.f32 v10, v24;
	v10 =	vmovc v23  }
0xb9: {  	v15 =	vadd.f32 v15, v20;
	v17 =	vcvt.f32.s32 v17;
	v23 =	vmin.f32 v28, $1.400000000e+01  }
0xba: {  	v20 =	vcvt.f32.s32 v26;
	v26 =	vand.u32 $0x7FFFFFFF, v27;
	v27 =	vsub.f32 v7, v30;
	v7 =	vmovc v21  }
0xbb: {  	v17 =	vcvt.s32.f32 v17;
	v19 =	vcvt.f32.s32 v19;
	v15 =	vadd.f32 v26, v15  }
0xbc: {  	v21 =	vtrunc.f32 v23;
	v23 =	vmin.f32 v29, $1.400000000e+01;
	v24 =	vand.u32 $0x7FFFFFFF, v24  }
.Ltmp1:
0xbd: {  	v17 =	vmul.f32 v17, v4;
	v20 =	vcvt.s32.f32 v20;
	v15 =	vadd.f32 v24, v15;
	(pc) =	sbr.rel @p0 .LBB2_5-.Ltmp1, $4  }
0xbe: {  	v19 =	vcvt.s32.f32 v19;
	v24 =	vcvt.f32.s32 v21;
	v21 =	vand.u32 $0x7FFFFFFF, v22  }
0xbf: {  	v17 =	vsub.f32 v17, v3;
	v26 =	vtrunc.f32 v23;
	v21 =	vadd.f32 v21, v15  }
0xc0: {  	v15 =	vmul.f32 v19, v4;
	v22 =	vcvt.s32.f32 v24;
	v19 =	vand.u32 $0x7FFFFFFF, v27  }
0xc1: {  	v23 =	vmul.f32 v20, v4;
	v20 =	vsub.f32 v25, v17;
	v17 =	vcvt.f32.s32 v26  }
0xc2: {  	v2 =	vtrunc.f32 v18  }
0xc3: {  	v6 =	vmul.f32 v22, v4;
	v5 =	vsub.f32 v23, v3;
	v2 =	vcvt.f32.s32 v2  }
0xc4: {  	v16 =	vadd.f32 v16, v21;
	v54 =	vtrunc.f32 v14;
	v13 =	vmax.f32 v13, $0.0e+00  }
0xc5: {  	v5 =	vsub.f32 v12, v5;
	v2 =	vcvt.s32.f32 v2;
	v12 =	vcvt.f32.s32 v54  }
0xc6: {  	v15 =	vsub.f32 v15, v3;
	v13 =	vmin.f32 v13, $1.400000000e+01;
	v55 =	vadd.f32 v19, v16  }
0xc7: {  	v5 =	vand.u32 $0x7FFFFFFF, v5;
	v2 =	vmul.f32 v2, v4;
	v12 =	vcvt.s32.f32 v12  }
0xc8: {  	v56 =	vand.u32 $0x7FFFFFFF, v20;
	v13 =	vtrunc.f32 v13;
	v5 =	vadd.f32 v5, v55  }
0xc9: {  	v11 =	vsub.f32 v11, v15;
	v2 =	vsub.f32 v2, v3;
	v12 =	vmul.f32 v12, v4  }
0xca: {  	v57 =	vcvt.s32.f32 v17;
	v13 =	vcvt.f32.s32 v13;
	v5 =	vadd.f32 v56, v5  }
0xcb: {  	v11 =	vand.u32 $0x7FFFFFFF, v11;
	v2 =	vsub.f32 v9, v2;
	v58 =	vsub.f32 v12, v3  }
0xcc: {  	v6 =	vsub.f32 v6, v3;
	v59 =	vmul.f32 v57, v4;
	v5 =	vadd.f32 v11, v5  }
0xcd: {  	v60 =	vcvt.s32.f32 v13;
	v9 =	vsub.f32 v10, v58;
	v2 =	vand.u32 $0x7FFFFFFF, v2  }
0xce: {  	v1 =	vsub.f32 v1, v6;
	v2 =	vadd.f32 v2, v5  }
0xcf: {  	v61 =	vsub.f32 v59, v3;
	v62 =	vmul.f32 v60, v4;
	v63 =	vand.u32 $0x7FFFFFFF, v9  }
0xd0: {  	s18 =	sadd.s32 $0x1, s18;
	v2 =	vadd.f32 v63, v2  }
0xd1: {  	p0 =	sne.s32 s18, $0x4;
	v1 =	vand.u32 $0x7FFFFFFF, v1;
	v3 =	vsub.f32 v62, v3;
	v5 =	vsub.f32 v8, v61  }
.Ltmp2:
0xd2: {  	v1 =	vadd.f32 v1, v2;
	(pc) =	sbr.rel @p0 .LBB2_2-.Ltmp2, $4  }
0xd3: {  	v3 =	vsub.f32 v7, v3;
	v2 =	vand.u32 $0x7FFFFFFF, v5  }
0xd4: {  	v1 =	vadd.f32 v2, v1  }
0xd5: {  	v2 =	vand.u32 $0x7FFFFFFF, v3  }
0xd6: {  	s17 =	sadd.s32 $0x80, s17;
	v1 =	vadd.f32 v2, v1  }
0xd7: {  	_ =	swait.ge [sflag:s14], $0x2000  }
0xd8: {  	[sflag:s14] =	ssyncset.done $0x0  }
0xd9: {  	s17 =	simm.s32 $0x0;
	s18 =	simm.s32 $0x2040;
	[sflag:s14] =	ssyncadd.s32 $0xFFFFE000  }
.LBB2_8:
0xda: {  	v0 =	vmov s18;
	_ =	sdelay $0x3  }
0xdb: {  	s19 =	simm.s32 $0x0  }
0xdc: {  	v2 =	vld.idx.msk [tilespmem:v0+s19+$0xFFFFFFC0 ss:$0x1], $0xffff;
	_ =	sdelay $0x1  }
0xdd: {  	v4 =	vld.idx.msk [tilespmem:v0+s19+$0xFFFFFFD0 ss:$0x1], $0xffff;
	_ =	sdelay $0x1  }
0xde: {  	v5 =	vld.idx.msk [tilespmem:v0+s19+$0xFFFFFFE0 ss:$0x1], $0xffff  }
0xdf: {  	v3 =	vmul.f32 v2, v2  }
0xe0: {  	v6 =	vimm.f32 $0.0e+00;
	v7 =	vld.idx.msk [tilespmem:v0+s19+$0xFFFFFFF0 ss:$0x1], $0xffff  }
0xe1: {  	v2 =	vadd.f32 v2, v6;
	v8 =	vmul.f32 v4, v4;
	v6 =	vadd.f32 v3, v6  }
0xe2: {  	v3 =	vld.idx.msk [tilespmem:v0+s19+$0x0 ss:$0x1], $0xffff  }
0xe3: {  	v2 =	vadd.f32 v4, v2;
	v6 =	vadd.f32 v8, v6;
	v8 =	vmul.f32 v5, v5  }
0xe4: {  	v4 =	vld.idx.msk [tilespmem:v0+s19+$0x10 ss:$0x1], $0xffff  }
0xe5: {  	v2 =	vadd.f32 v5, v2;
	v6 =	vadd.f32 v8, v6;
	v8 =	vmul.f32 v7, v7  }
0xe6: {  	v5 =	vld.idx.msk [tilespmem:v0+s19+$0x20 ss:$0x1], $0xffff  }
0xe7: {  	v7 =	vadd.f32 v7, v2;
	v6 =	vadd.f32 v8, v6;
	v8 =	vmul.f32 v3, v3  }
0xe8: {  	s20 =	simm.s32 $0x1000;
	v2 =	vld.idx.msk [tilespmem:v0+s19+$0x30 ss:$0x1], $0xffff;
	s19 =	simm.s32 $0x200  }
.LBB2_9:
0xe9: {  	p0 =	sne.s32 s20, $0x7800;
	v9 =	vld.idx.msk [tilespmem:v0+s19+$0xFFFFFFC0 ss:$0x1], $0xffff;
	v3 =	vadd.f32 v3, v7;
	v6 =	vadd.f32 v8, v6;
	v7 =	vmul.f32 v4, v4;
	_ =	sdelay $0x1  }
0xea: {  	v8 =	vld.idx.msk [tilespmem:v0+s19+$0xFFFFFFD0 ss:$0x1], $0xffff;
	v3 =	vadd.f32 v4, v3;
	v4 =	vadd.f32 v7, v6;
	v6 =	vmul.f32 v5, v5;
	_ =	sdelay $0x1  }
0xeb: {  	v7 =	vld.idx.msk [tilespmem:v0+s19+$0xFFFFFFE0 ss:$0x1], $0xffff;
	v3 =	vadd.f32 v5, v3;
	v4 =	vadd.f32 v6, v4;
	v5 =	vmul.f32 v2, v2;
	_ =	sdelay $0x1  }
0xec: {  	v6 =	vmul.f32 v9, v9;
	v10 =	vld.idx.msk [tilespmem:v0+s19+$0xFFFFFFF0 ss:$0x1], $0xffff;
	v2 =	vadd.f32 v2, v3;
	v3 =	vadd.f32 v5, v4;
	_ =	sdelay $0x1  }
0xed: {  	v5 =	vmul.f32 v8, v8;
	v2 =	vadd.f32 v9, v2;
	v4 =	vadd.f32 v6, v3;
	v3 =	vld.idx.msk [tilespmem:v0+s19+$0x0 ss:$0x1], $0xffff;
	_ =	sdelay $0x1  }
0xee: {  	v6 =	vmul.f32 v7, v7;
	v2 =	vadd.f32 v8, v2;
	v5 =	vadd.f32 v5, v4;
	v4 =	vld.idx.msk [tilespmem:v0+s19+$0x10 ss:$0x1], $0xffff  }
.Ltmp3:
0xef: {  	(pc) =	sbr.rel @p0 .LBB2_9-.Ltmp3, $3  }
0xf0: {  	v8 =	vmul.f32 v10, v10;
	v2 =	vadd.f32 v7, v2;
	v6 =	vadd.f32 v6, v5;
	v5 =	vld.idx.msk [tilespmem:v0+s19+$0x20 ss:$0x1], $0xffff;
	_ =	sdelay $0x1  }
0xf1: {  	v7 =	vadd.f32 v10, v2;
	v6 =	vadd.f32 v8, v6;
	v8 =	vmul.f32 v3, v3;
	v2 =	vld.idx.msk [tilespmem:v0+s19+$0x30 ss:$0x1], $0xffff  }
0xf2: {  	s19 =	sshra.s32 s20, $0x2;
	s20 =	sadd.s32 $0x800, s20  }
0xf3: {  	_ = 	snop  }
0xf4: {  	v3 =	vadd.f32 v3, v7;
	_ =	sdelay $0x1  }
0xf5: {  	v3 =	vadd.f32 v4, v3  }
0xf6: {  	v7 =	vld.idx.msk [tilespmem:v0+s19+$0xFFFFFFC0 ss:$0x1], $0xffff  }
0xf7: {  	v6 =	vadd.f32 v8, v6;
	v4 =	vmul.f32 v4, v4;
	v3 =	vadd.f32 v5, v3  }
0xf8: {  	v8 =	vld.idx.msk [tilespmem:v0+s19+$0xFFFFFFD0 ss:$0x1], $0xffff  }
0xf9: {  	v4 =	vadd.f32 v4, v6;
	v5 =	vmul.f32 v5, v5;
	v3 =	vadd.f32 v2, v3  }
0xfa: {  	v6 =	vld.idx.msk [tilespmem:v0+s19+$0xFFFFFFE0 ss:$0x1], $0xffff  }
0xfb: {  	v4 =	vadd.f32 v5, v4;
	v2 =	vmul.f32 v2, v2;
	v3 =	vadd.f32 v7, v3  }
0xfc: {  	v5 =	vld.idx.msk [tilespmem:v0+s19+$0xFFFFFFF0 ss:$0x1], $0xffff  }
0xfd: {  	v7 =	vmul.f32 v7, v7;
	v2 =	vadd.f32 v2, v4;
	v3 =	vadd.f32 v8, v3  }
0xfe: {  	v4 =	vld.idx.msk [tilespmem:v0+s19+$0x0 ss:$0x1], $0xffff  }
0xff: {  	v2 =	vadd.f32 v7, v2;
	v7 =	vmul.f32 v8, v8;
	v3 =	vadd.f32 v6, v3  }
0x100: {  	v8 =	vld.idx.msk [tilespmem:v0+s19+$0x10 ss:$0x1], $0xffff  }
0x101: {  	v2 =	vadd.f32 v7, v2;
	v6 =	vmul.f32 v6, v6;
	v3 =	vadd.f32 v5, v3  }
0x102: {  	v7 =	vld.idx.msk [tilespmem:v0+s19+$0x20 ss:$0x1], $0xffff  }
0x103: {  	v2 =	vadd.f32 v6, v2;
	v5 =	vmul.f32 v5, v5;
	v3 =	vadd.f32 v4, v3  }
0x104: {  	v6 =	vld.idx.msk [tilespmem:v0+s19+$0x30 ss:$0x1], $0xffff  }
0x105: {  	v2 =	vadd.f32 v5, v2;
	v4 =	vmul.f32 v4, v4;
	v3 =	vadd.f32 v8, v3;
	_ =	sdelay $0x1  }
0x106: {  	v2 =	vadd.f32 v4, v2;
	v4 =	vmul.f32 v8, v8;
	v3 =	vadd.f32 v7, v3;
	_ =	sdelay $0x1  }
0x107: {  	v2 =	vadd.f32 v4, v2;
	v4 =	vmul.f32 v7, v7;
	v3 =	vadd.f32 v6, v3;
	_ =	sdelay $0x1  }
0x108: {  	v2 =	vadd.f32 v4, v2;
	v4 =	vmul.f32 v6, v6;
	(xrf2) =	vadd.scan.msk.f32 $0xffff, v3;
	_ =	sdelay $0x1  }
0x109: {  	v2 =	vadd.f32 v4, v2;
	_ =	sdelay $0x1  }
0x10a: {  	(xrf2) =	vadd.scan.msk.f32 $0xffff, v2;
	_ =	sdelay $0x5  }
0x10b: {  	v2, _, _ =	vpop (xrf2)  }
0x10c: {  	(v2sf) =	vpush v2, $0xF;
	_ =	sdelay $0x2  }
0x10d: {  	v2, _, _ =	vpop (xrf2)  }
0x10e: {  	(v2sf) =	vpush v2, $0xF;
	_ =	sdelay $0xa  }
0x10f: {  	s28 =	spop (v2sf)  }
0x110: {  	s20 =	smul.f32 $4.882812500e-04, s28;
	_ =	sdelay $0x1  }
0x111: {  	s19 =	smul.f32 s20, s28  }
0x112: {  	s21 =	spop (v2sf)  }
0x113: {  	s19 =	ssub.f32 s21, s19;
	_ =	sdelay $0x1  }
0x114: {  	s19 =	smul.f32 $4.885197850e-04, s19;
	_ =	sdelay $0x1  }
0x115: {  	v2 =	vmov s19  }
0x116: {  	v3 =	vshra.s32 v2, $0x1;
	v2 =	vmul.f32 $5.000000000e-01, v2  }
0x117: {  	v3 =	vsub.s32 $0x5F3759DF, v3  }
0x118: {  	v4 =	vmul.f32 v3, v2;
	_ =	sdelay $0x1  }
0x119: {  	v4 =	vmul.f32 v3, v4;
	_ =	sdelay $0x1  }
0x11a: {  	v4 =	vsub.f32 $1.500000000e+00, v4;
	_ =	sdelay $0x1  }
0x11b: {  	v3 =	vmul.f32 v3, v4;
	_ =	sdelay $0x1  }
0x11c: {  	v4 =	vmul.f32 v3, v2;
	_ =	sdelay $0x1  }
0x11d: {  	v4 =	vmul.f32 v4, v3;
	_ =	sdelay $0x1  }
0x11e: {  	v4 =	vsub.f32 $1.500000000e+00, v4;
	_ =	sdelay $0x1  }
0x11f: {  	v3 =	vmul.f32 v4, v3;
	_ =	sdelay $0x1  }
0x120: {  	v4 =	vmul.f32 v3, v2;
	_ =	sdelay $0x1  }
0x121: {  	v4 =	vmul.f32 v4, v3;
	_ =	sdelay $0x1  }
0x122: {  	v4 =	vsub.f32 $1.500000000e+00, v4;
	_ =	sdelay $0x1  }
0x123: {  	v3 =	vmul.f32 v4, v3;
	_ =	sdelay $0x1  }
0x124: {  	v2 =	vmul.f32 v3, v2;
	_ =	sdelay $0x1  }
0x125: {  	s29 =	simm.s32 $0x0;
	v2 =	vmul.f32 v2, v3  }
0x126: {  	v13 =	vld.idx.msk [tilespmem:v0+s29+$0x20 ss:$0x1], $0xffff  }
0x127: {  	v15 =	vld.idx.msk [tilespmem:v0+s29+$0xFFFFFFF0 ss:$0x1], $0xffff;
	v2 =	vsub.f32 $1.500000000e+00, v2  }
0x128: {  	v16 =	vld.idx.msk [tilespmem:v0+s29+$0x0 ss:$0x1], $0xffff  }
0x129: {  	v6 =	vld [tilespmem:s17+$0x4004];
	v2 =	vmul.f32 v2, v3  }
0x12a: {  	v18 =	vld.idx.msk [tilespmem:v0+s29+$0xFFFFFFE0 ss:$0x1], $0xffff  }
0x12b: {  	v7 =	vld.idx.msk [tilespmem:v0+s29+$0xFFFFFFD0 ss:$0x1], $0xffff;
	v4 =	vmul.f32 $3.750000000e+00, v2  }
0x12c: {  	v8 =	vld.idx.msk [tilespmem:v0+s29+$0xFFFFFFC0 ss:$0x1], $0xffff  }
0x12d: {  	v9 =	vld.idx.msk [tilespmem:v0+s29+$0x10 ss:$0x1], $0xffff;
	v2 =	vmul.f32 s20, v4  }
0x12e: {  	v14 =	vld.idx.msk [tilespmem:v0+s29+$0x30 ss:$0x1], $0xffff;
	(v2sf) =	vpush v6, $0x0;
	v3 =	vbroadcast v6, $0x0  }
0x12f: {  	v6 =	vmul.f32 v13, v4;
	v11 =	vmul.f32 v15, v4;
	v5 =	vsub.f32 $7.500000000e+00, v2  }
0x130: {  	v12 =	vmul.f32 v7, v4;
	v17 =	vmul.f32 v16, v4  }
0x131: {  	v19 =	vmul.f32 v8, v4;
	v20 =	vmul.f32 v18, v4;
	v6 =	vadd.f32 v6, v5  }
0x132: {  	v21 =	vmul.f32 v9, v4;
	v11 =	vadd.f32 v11, v5;
	v12 =	vadd.f32 v12, v5  }
0x133: {  	v10 =	vmul.f32 v14, v4;
	v17 =	vadd.f32 v17, v5;
	v19 =	vadd.f32 v19, v5  }
0x134: {  	v20 =	vadd.f32 v20, v5;
	v21 =	vadd.f32 v21, v5;
	v12 =	vmax.f32 v12, $0.0e+00  }
0x135: {  	v6 =	vmax.f32 v6, $0.0e+00;
	v11 =	vmax.f32 v11, $0.0e+00;
	v19 =	vmax.f32 v19, $0.0e+00  }
0x136: {  	v20 =	vmax.f32 v20, $0.0e+00;
	v21 =	vmax.f32 v21, $0.0e+00;
	v17 =	vmax.f32 v17, $0.0e+00  }
0x137: {  	v12 =	vmin.f32 v12, $1.400000000e+01;
	v19 =	vmin.f32 v19, $1.400000000e+01;
	v20 =	vmin.f32 v20, $1.400000000e+01  }
0x138: {  	v21 =	vmin.f32 v21, $1.400000000e+01;
	v11 =	vmin.f32 v11, $1.400000000e+01;
	v12 =	vtrunc.f32 v12  }
0x139: {  	s31 =	simm.s32 $0x200;
	v6 =	vmin.f32 v6, $1.400000000e+01;
	v19 =	vtrunc.f32 v19;
	v20 =	vtrunc.f32 v20  }
0x13a: {  	v24 =	vld.idx.msk [tilespmem:v0+s31+$0xFFFFFFD0 ss:$0x1], $0xffff;
	v17 =	vmin.f32 v17, $1.400000000e+01;
	v21 =	vtrunc.f32 v21;
	v6 =	vtrunc.f32 v6  }
0x13b: {  	v11 =	vtrunc.f32 v11;
	v17 =	vtrunc.f32 v17  }
0x13c: {  	v12 =	vcvt.f32.s32 v12;
	v19 =	vcvt.f32.s32 v19  }
0x13d: {  	s30 =	spop (v2sf);
	v20 =	vcvt.f32.s32 v20;
	v21 =	vcvt.f32.s32 v21  }
0x13e: {  	s20 =	smul.f32 $7.000000000e+00, s30;
	v11 =	vcvt.f32.s32 v11;
	v29 =	vcvt.f32.s32 v17  }
0x13f: {  	v10 =	vadd.f32 v10, v5;
	v17 =	vmul.f32 v24, v4;
	v12 =	vcvt.s32.f32 v12  }
0x140: {  	v2 =	vmov s20;
	v20 =	vcvt.s32.f32 v20;
	v11 =	vcvt.s32.f32 v11  }
0x141: {  	v10 =	vmax.f32 v10, $0.0e+00;
	v19 =	vcvt.s32.f32 v19;
	v12 =	vmul.f32 v12, v3  }
0x142: {  	v10 =	vmin.f32 v10, $1.400000000e+01;
	v20 =	vmul.f32 v20, v3;
	v11 =	vmul.f32 v11, v3  }
0x143: {  	v21 =	vcvt.s32.f32 v21;
	v19 =	vmul.f32 v19, v3;
	v12 =	vsub.f32 v12, v2  }
0x144: {  	v55 =	vcvt.s32.f32 v29;
	v20 =	vsub.f32 v20, v2;
	v25 =	vsub.f32 v11, v2;
	v11 =	vld.idx.msk [tilespmem:v0+s31+$0xFFFFFFC0 ss:$0x1], $0xffff  }
0x145: {  	v19 =	vsub.f32 v19, v2;
	v7 =	vsub.f32 v7, v12;
	v12 =	vmul.f32 v21, v3  }
0x146: {  	v17 =	vadd.f32 v17, v5;
	v18 =	vsub.f32 v18, v20;
	v20 =	vmul.f32 v55, v3  }
0x147: {  	v21 =	vcvt.f32.s32 v6;
	v19 =	vsub.f32 v8, v19;
	v8 =	vld.idx.msk [tilespmem:v0+s31+$0xFFFFFFF0 ss:$0x1], $0xffff;
	v12 =	vsub.f32 v12, v2  }
0x148: {  	v6 =	vld.idx.msk [tilespmem:v0+s31+$0x30 ss:$0x1], $0xffff;
	v25 =	vsub.f32 v15, v25;
	v22 =	vand.u32 $0x7FFFFFFF, v7;
	v20 =	vsub.f32 v20, v2  }
0x149: {  	v7 =	vld.idx.msk [tilespmem:v0+s31+$0x20 ss:$0x1], $0xffff;
	v18 =	vand.u32 $0x7FFFFFFF, v18;
	v31 =	vmul.f32 v11, v4;
	v23 =	vsub.f32 v9, v12  }
0x14a: {  	v12 =	vcvt.s32.f32 v21;
	v9 =	vtrunc.f32 v10;
	v10 =	vand.u32 $0x7FFFFFFF, v19  }
0x14b: {  	v16 =	vsub.f32 v16, v20;
	v19 =	vcvt.f32.s32 v9;
	v21 =	vadd.f32 v10, v1  }
0x14c: {  	v9 =	vld.idx.msk [tilespmem:v0+s31+$0x0 ss:$0x1], $0xffff;
	v28 =	vmul.f32 v8, v4;
	v31 =	vadd.f32 v31, v5;
	v10 =	vmul.f32 v12, v3  }
0x14d: {  	v1 =	vld.idx.msk [tilespmem:v0+s31+$0x10 ss:$0x1], $0xffff;
	v12 =	vmul.f32 v6, v4;
	v16 =	vand.u32 $0x7FFFFFFF, v16;
	v19 =	vcvt.s32.f32 v19  }
0x14e: {  	v26 =	vmul.f32 v7, v4;
	v53 =	vadd.f32 v28, v5;
	v56 =	vmax.f32 v31, $0.0e+00  }
0x14f: {  	v21 =	vadd.f32 v22, v21;
	v27 =	vsub.f32 v10, v2;
	v59 =	vmin.f32 v56, $1.400000000e+01  }
0x150: {  	v10 =	vld.idx.msk [tilespmem:v0+s31+$0xFFFFFFE0 ss:$0x1], $0xffff;
	v26 =	vadd.f32 v26, v5;
	v19 =	vmul.f32 v19, v3;
	v22 =	vtrunc.f32 v59  }
0x151: {  	v18 =	vadd.f32 v18, v21;
	v13 =	vsub.f32 v13, v27;
	v54 =	vmul.f32 v9, v4  }
0x152: {  	v30 =	vmul.f32 v1, v4;
	v27 =	vmax.f32 v53, $0.0e+00;
	v21 =	vcvt.f32.s32 v22  }
0x153: {  	v22 =	vand.u32 $0x7FFFFFFF, v25;
	v26 =	vmax.f32 v26, $0.0e+00;
	v19 =	vsub.f32 v19, v2  }
0x154: {  	v28 =	vadd.f32 v54, v5;
	v15 =	vand.u32 $0x7FFFFFFF, v13;
	v13 =	vmax.f32 v17, $0.0e+00  }
0x155: {  	v60 =	vadd.f32 v30, v5;
	v62 =	vmin.f32 v26, $1.400000000e+01;
	v17 =	vmul.f32 v10, v4  }
0x156: {  	v63 =	vcvt.s32.f32 v21;
	v57 =	vmin.f32 v13, $1.400000000e+01;
	v19 =	vsub.f32 v14, v19  }
0x157: {  	v25 =	vtrunc.f32 v62;
	v61 =	vtrunc.f32 v57;
	v32 =	vadd.f32 v17, v5  }
0x158: {  	v28 =	vmax.f32 v28, $0.0e+00;
	v17 =	vmin.f32 v27, $1.400000000e+01;
	v20 =	vcvt.f32.s32 v61  }
0x159: {  	v13 =	vmin.f32 v28, $1.400000000e+01;
	v27 =	vmax.f32 v60, $0.0e+00;
	v58 =	vmax.f32 v32, $0.0e+00  }
0x15a: {  	v27 =	vmin.f32 v27, $1.400000000e+01;
	v14 =	vcvt.s32.f32 v20;
	v28 =	vmin.f32 v58, $1.400000000e+01  }
0x15b: {  	v18 =	vadd.f32 v22, v18;
	v22 =	vtrunc.f32 v27;
	v28 =	vtrunc.f32 v28  }
0x15c: {  	v12 =	vadd.f32 v12, v5;
	v14 =	vmul.f32 v14, v3;
	v20 =	vcvt.f32.s32 v28  }
0x15d: {  	v16 =	vadd.f32 v16, v18;
	v21 =	vcvt.f32.s32 v22;
	v22 =	vmul.f32 v63, v3  }
0x15e: {  	v18 =	vcvt.s32.f32 v20;
	v20 =	vand.u32 $0x7FFFFFFF, v23;
	v23 =	vsub.f32 v14, v2  }
0x15f: {  	v21 =	vcvt.s32.f32 v21;
	v20 =	vadd.f32 v20, v16;
	v16 =	vcvt.f32.s32 v25  }
0x160: {  	s19 =	simm.s32 $0x1000;
	v14 =	vmul.f32 v18, v3;
	v18 =	vand.u32 $0x7FFFFFFF, v19;
	v19 =	vsub.f32 v24, v23  }
.LBB2_11:
0x161: {  	s20 =	sshra.s32 s19, $0x2;
	p0 =	sne.s32 s19, $0x7800;
	s19 =	sadd.s32 $0x800, s19;
	v17 =	vtrunc.f32 v17;
	v21 =	vmul.f32 v21, v3;
	v15 =	vadd.f32 v15, v20  }
0x162: {  	v20 =	vld.idx.msk [tilespmem:v0+s20+$0x30 ss:$0x1], $0xffff;
	v22 =	vsub.f32 v22, v2;
	v19 =	vand.u32 $0x7FFFFFFF, v19;
	v17 =	vcvt.f32.s32 v17  }
0x163: {  	v12 =	vmax.f32 v12, $0.0e+00;
	v23 =	vld.idx.msk [tilespmem:v0+s20+$0x20 ss:$0x1], $0xffff;
	v21 =	vsub.f32 v21, v2;
	v15 =	vadd.f32 v18, v15  }
0x164: {  	v12 =	vmin.f32 v12, $1.400000000e+01;
	v18 =	vld.idx.msk [tilespmem:v0+s20+$0xFFFFFFF0 ss:$0x1], $0xffff;
	v11 =	vsub.f32 v11, v22;
	v17 =	vcvt.s32.f32 v17  }
0x165: {  	v16 =	vcvt.s32.f32 v16;
	v24 =	vld.idx.msk [tilespmem:v0+s20+$0xFFFFFFD0 ss:$0x1], $0xffff;
	v21 =	vsub.f32 v1, v21;
	v1 =	vtrunc.f32 v12  }
0x166: {  	v22 =	vld.idx.msk [tilespmem:v0+s20+$0x0 ss:$0x1], $0xffff;
	v11 =	vand.u32 $0x7FFFFFFF, v11;
	v12 =	vmul.f32 v17, v3;
	v17 =	vcvt.f32.s32 v1  }
0x167: {  	v14 =	vsub.f32 v14, v2;
	v1 =	vld.idx.msk [tilespmem:v0+s20+$0x10 ss:$0x1], $0xffff;
	v25 =	vadd.f32 v11, v15;
	v15 =	vmul.f32 v16, v3  }
0x168: {  	v16 =	vmul.f32 v20, v4;
	v11 =	vld.idx.msk [tilespmem:v0+s20+$0xFFFFFFC0 ss:$0x1], $0xffff;
	v26 =	vsub.f32 v12, v2;
	v17 =	vcvt.s32.f32 v17  }
0x169: {  	v13 =	vtrunc.f32 v13;
	v28 =	vmul.f32 v23, v4;
	v27 =	vld.idx.msk [tilespmem:v0+s20+$0xFFFFFFE0 ss:$0x1], $0xffff;
	v15 =	vsub.f32 v15, v2  }
0x16a: {  	v13 =	vcvt.f32.s32 v13;
	v29 =	vmul.f32 v18, v4;
	v12 =	vadd.f32 v16, v5  }
0x16b: {  	v16 =	vmul.f32 v24, v4;
	v28 =	vadd.f32 v28, v5;
	v15 =	vsub.f32 v7, v15;
	v7 =	vmovc v23  }
0x16c: {  	v30 =	vmul.f32 v17, v3;
	v23 =	vadd.f32 v29, v5;
	v29 =	vmul.f32 v22, v4  }
0x16d: {  	v26 =	vsub.f32 v8, v26;
	v8 =	vmovc v18;
	v16 =	vadd.f32 v16, v5;
	v31 =	vmul.f32 v1, v4  }
0x16e: {  	v17 =	vmul.f32 v11, v4;
	v18 =	vadd.f32 v29, v5;
	v15 =	vand.u32 $0x7FFFFFFF, v15  }
0x16f: {  	v28 =	vmax.f32 v28, $0.0e+00;
	v16 =	vmax.f32 v16, $0.0e+00;
	v29 =	vmul.f32 v27, v4  }
0x170: {  	v32 =	vadd.f32 v17, v5;
	v17 =	vmax.f32 v23, $0.0e+00;
	v18 =	vmax.f32 v18, $0.0e+00  }
0x171: {  	v23 =	vadd.f32 v29, v5;
	v17 =	vmin.f32 v17, $1.400000000e+01;
	v29 =	vcvt.s32.f32 v13  }
0x172: {  	v16 =	vmin.f32 v16, $1.400000000e+01;
	v13 =	vmin.f32 v18, $1.400000000e+01;
	v32 =	vmax.f32 v32, $0.0e+00  }
0x173: {  	v14 =	vsub.f32 v10, v14;
	v10 =	vmovc v27;
	v18 =	vmax.f32 v23, $0.0e+00;
	v23 =	vmul.f32 v29, v3  }
0x174: {  	v19 =	vadd.f32 v19, v25;
	v27 =	vmin.f32 v32, $1.400000000e+01;
	v18 =	vmin.f32 v18, $1.400000000e+01  }
0x175: {  	v25 =	vtrunc.f32 v27;
	v27 =	vadd.f32 v31, v5;
	v23 =	vsub.f32 v23, v2  }
0x176: {  	v14 =	vand.u32 $0x7FFFFFFF, v14;
	v16 =	vtrunc.f32 v16;
	v18 =	vtrunc.f32 v18  }
0x177: {  	v29 =	vsub.f32 v30, v2;
	v27 =	vmax.f32 v27, $0.0e+00;
	v23 =	vsub.f32 v9, v23;
	v9 =	vmovc v22  }
0x178: {  	v14 =	vadd.f32 v14, v19;
	v16 =	vcvt.f32.s32 v16;
	v22 =	vmin.f32 v27, $1.400000000e+01  }
0x179: {  	v19 =	vcvt.f32.s32 v25;
	v25 =	vand.u32 $0x7FFFFFFF, v26;
	v26 =	vsub.f32 v6, v29;
	v6 =	vmovc v20  }
0x17a: {  	v16 =	vcvt.s32.f32 v16;
	v18 =	vcvt.f32.s32 v18;
	v14 =	vadd.f32 v25, v14  }
0x17b: {  	v20 =	vtrunc.f32 v22;
	v22 =	vmin.f32 v28, $1.400000000e+01;
	v23 =	vand.u32 $0x7FFFFFFF, v23  }
.Ltmp4:
0x17c: {  	v16 =	vmul.f32 v16, v3;
	v19 =	vcvt.s32.f32 v19;
	v14 =	vadd.f32 v23, v14;
	(pc) =	sbr.rel @p0 .LBB2_11-.Ltmp4, $4  }
0x17d: {  	v18 =	vcvt.s32.f32 v18;
	v23 =	vcvt.f32.s32 v20;
	v20 =	vand.u32 $0x7FFFFFFF, v21  }
0x17e: {  	v16 =	vsub.f32 v16, v2;
	v25 =	vtrunc.f32 v22;
	v20 =	vadd.f32 v20, v14  }
0x17f: {  	v14 =	vmul.f32 v18, v3;
	v21 =	vcvt.s32.f32 v23;
	v18 =	vand.u32 $0x7FFFFFFF, v26  }
0x180: {  	v22 =	vmul.f32 v19, v3;
	v19 =	vsub.f32 v24, v16;
	v16 =	vcvt.f32.s32 v25  }
0x181: {  	v0 =	vtrunc.f32 v17  }
0x182: {  	v5 =	vmul.f32 v21, v3;
	v4 =	vsub.f32 v22, v2;
	v0 =	vcvt.f32.s32 v0  }
0x183: {  	v15 =	vadd.f32 v15, v20;
	v55 =	vtrunc.f32 v13;
	v12 =	vmax.f32 v12, $0.0e+00  }
0x184: {  	v4 =	vsub.f32 v11, v4;
	v0 =	vcvt.s32.f32 v0;
	v11 =	vcvt.f32.s32 v55  }
0x185: {  	v14 =	vsub.f32 v14, v2;
	v12 =	vmin.f32 v12, $1.400000000e+01;
	v56 =	vadd.f32 v18, v15  }
0x186: {  	v4 =	vand.u32 $0x7FFFFFFF, v4;
	v0 =	vmul.f32 v0, v3;
	v11 =	vcvt.s32.f32 v11  }
0x187: {  	v57 =	vand.u32 $0x7FFFFFFF, v19;
	v12 =	vtrunc.f32 v12;
	v4 =	vadd.f32 v4, v56  }
0x188: {  	v10 =	vsub.f32 v10, v14;
	v0 =	vsub.f32 v0, v2;
	v11 =	vmul.f32 v11, v3  }
0x189: {  	v58 =	vcvt.s32.f32 v16;
	v12 =	vcvt.f32.s32 v12;
	v4 =	vadd.f32 v57, v4  }
0x18a: {  	v10 =	vand.u32 $0x7FFFFFFF, v10;
	v0 =	vsub.f32 v8, v0;
	v59 =	vsub.f32 v11, v2  }
0x18b: {  	v5 =	vsub.f32 v5, v2;
	v60 =	vmul.f32 v58, v3;
	v4 =	vadd.f32 v10, v4  }
0x18c: {  	v61 =	vcvt.s32.f32 v12;
	v8 =	vsub.f32 v9, v59;
	v0 =	vand.u32 $0x7FFFFFFF, v0  }
0x18d: {  	v1 =	vsub.f32 v1, v5;
	v0 =	vadd.f32 v0, v4  }
0x18e: {  	v62 =	vsub.f32 v60, v2;
	v3 =	vmul.f32 v61, v3;
	v63 =	vand.u32 $0x7FFFFFFF, v8  }
0x18f: {  	s17 =	sadd.s32 $0x1, s17;
	v0 =	vadd.f32 v63, v0  }
0x190: {  	p0 =	sne.s32 s17, $0x4;
	v1 =	vand.u32 $0x7FFFFFFF, v1;
	v2 =	vsub.f32 v3, v2;
	v4 =	vsub.f32 v7, v62  }
.Ltmp5:
0x191: {  	v0 =	vadd.f32 v1, v0;
	(pc) =	sbr.rel @p0 .LBB2_8-.Ltmp5, $4  }
0x192: {  	v2 =	vsub.f32 v6, v2;
	v1 =	vand.u32 $0x7FFFFFFF, v4  }
0x193: {  	v0 =	vadd.f32 v1, v0  }
0x194: {  	v1 =	vand.u32 $0x7FFFFFFF, v2  }
0x195: {  	s18 =	sadd.s32 $0x80, s18;
	v1 =	vadd.f32 v1, v0  }
0x196: {  	s16 =	sadd.s32 $0x1, s16  }
0x197: {  	p0 =	sne.s32 s16, s7  }
.Ltmp6:
0x198: {  	[tilespmem:$0x4080] =	vst v1;
	(pc) =	sbr.rel @p0 .LBB2_1-.Ltmp6, $4  }
0x199: {  	[hbm4b:s6+s2] =	stream.linear.scatter [tilespmem:s15], [sflag:$0x3], $0x80, $0x38;
	[tilespmem:$0x4100] =	vst v63  }
0x19a: {  	_ =	swait.ge [sflag:s12], $0x80  }
0x19b: {  	[sflag:s12] =	ssyncset.done $0x0  }
0x19c: {  	[sflag:s12] =	ssyncadd.s32 $0xFFFFFF80  }
0x19d: {  	_ =	sfence.sel $0x180000  }
0x19e: {  	[bflag:$0x0] =	sbarrier.arrive $0xFFFF  }
0x19f: {  	p0 =	sne.s32 s1, $0x0;
	_ =	strace $0x90000047  }
0x1a0: {  	s0 =	sadd.s32 @!p0 $0x100000, s0;
	[bflag:$0x2] =	sbarrier.arrive $0xFFFF  }
0x1a1: {  	[sflag:s0] =	ssyncadd.tile.s32 @!p0 $0x1;
	_ =	shalt  }
.Lfunc_end2:
_tile_overlayer_lowered:
.L_overlay_start_2:
0x1a2: {  	(tag) =	ssettag $0x2  }
0x1a3: {  	s0 =	rddreg [dreg:$0x0];
	s2 =	stileid.u32  }
0x1a4: {  	s1 =	rddreg [dreg:$0x1];
	p0 =	sne.s32 s2, $0x0  }
0x1a5: {  	s3 =	rddreg [dreg:$0x2];
	[bflag:$0x3] =	sbarrier.arrive $0xFFFF;
	s2 =	simm.s32 @!p0 $0x1C03  }
0x1a6: {  	[timem:s3], [sflag:s2] =	dma.local @!p0 [hbm:s0], s1  }
0x1a7: {  	s0 =	simm.s32 @!p0 $0x3  }
0x1a8: {  	_ =	swait.ge @!p0 [sflag:s0], s1  }
0x1a9: {  	s1 =	ssub.s32 @!p0 $0x0, s1;
	[sflag:s0] =	ssyncset.done @!p0 $0x0  }
0x1aa: {  	[sflag:s0] =	ssyncadd.s32 @!p0 s1  }
0x1ab: {  	[bflag:$0x3] =	sbarrier.arrive $0xFFFF  }
0x1ac: {  	_ =	shalt  }

</sc_bundles>
